<compile_context>
chip_gen: v7x
topology: tpu7x:2x2x1
jax: 0.10.2.dev20260603
libtpu: 0.0.44.dev20260713+nightly
codegen_flags: <defaults>
</compile_context>

<pallas_src>
import functools

import jax
import jax.numpy as jnp
from jax import lax
from jax.experimental import pallas as pl
from jax.experimental.pallas import tpu as pltpu
from jax.experimental.pallas import tpu_sc as plsc

B = 16384
D = 128
N_REL_ROWS = 500
CHUNK = 128
SCH = 256
NW = 32
BPW = B // NW
NCHUNK = BPW // CHUNK
NSUP = BPW // SCH
TE = 2 * NSUP
T = 3 * NSUP
NBUF = 3


def _gather3(qe, qr, oe, ent_table, rel_table):
    mesh = plsc.VectorSubcoreMesh(core_axis_name="c", subcore_axis_name="s")
    out_type = (
        jax.ShapeDtypeStruct((B, D), jnp.float32),
        jax.ShapeDtypeStruct((B, D), jnp.float32),
        jax.ShapeDtypeStruct((B, D), jnp.float32),
    )
    scratch = (
        [pltpu.VMEM((NCHUNK, CHUNK), jnp.int32)] * 3
        + [pltpu.VMEM((SCH, D), jnp.float32)] * NBUF
        + [pltpu.VMEM_SHARED((N_REL_ROWS, D), jnp.float32)]
        + [pltpu.SemaphoreType.DMA] * (2 + 2 * NBUF)
    )

    @functools.partial(pl.kernel, mesh=mesh, out_type=out_type,
                       scratch_types=scratch)
    def k(qe_hbm, qr_hbm, oe_hbm, ent_hbm, rel_hbm,
          out_qe, out_qr, out_oe, *scr):
        qe_v, qr_v, oe_v = scr[0:3]
        bufs = scr[3:3 + NBUF]
        rel_sp = scr[3 + NBUF]
        isem = scr[4 + NBUF]
        rsem = scr[5 + NBUF]
        gsem = scr[6 + NBUF:6 + 2 * NBUF]
        ssem = scr[6 + 2 * NBUF:6 + 3 * NBUF]

        sid = lax.axis_index("s")
        wid = sid * 2 + lax.axis_index("c")
        row0 = wid * NCHUNK

        @pl.when(sid == 0)
        def _():
            pltpu.async_copy(rel_hbm, rel_sp, rsem).wait()

        c1 = pltpu.async_copy(qe_hbm.at[pl.ds(row0, NCHUNK)], qe_v, isem)
        c2 = pltpu.async_copy(qr_hbm.at[pl.ds(row0, NCHUNK)], qr_v, isem)
        c3 = pltpu.async_copy(oe_hbm.at[pl.ds(row0, NCHUNK)], oe_v, isem)
        c1.wait(); c2.wait(); c3.wait()

        tasks = []
        for iv, tab, out in ((qe_v, ent_hbm, out_qe),
                             (oe_v, ent_hbm, out_oe),
                             (qr_v, rel_sp, out_qr)):
            for h in range(NSUP):
                tasks.append((iv, tab, out, 2 * h))

        gcp = [None] * T
        scp = [None] * T

        def fire(t):
            if t == TE:
                plsc.subcore_barrier()
            iv, tab, _, j0 = tasks[t]
            b = t % NBUF
            gcp[t] = [
                pltpu.async_copy(tab.at[iv.at[j0]],
                                 bufs[b].at[pl.ds(0, CHUNK)], gsem[b]),
                pltpu.async_copy(tab.at[iv.at[j0 + 1]],
                                 bufs[b].at[pl.ds(CHUNK, CHUNK)], gsem[b]),
            ]

        for t in range(NBUF):
            fire(t)
        for t in range(T):
            b = t % NBUF
            _, _, out, j0 = tasks[t]
            off = (row0 + j0) * CHUNK
            gcp[t][0].wait()
            gcp[t][1].wait()
            scp[t] = pltpu.async_copy(bufs[b], out.at[pl.ds(off, SCH)],
                                      ssem[b])
            if t + NBUF < T:
                scp[t].wait()
                fire(t + NBUF)
        for t in range(T - NBUF, T):
            scp[t].wait()

    return k(qe, qr, oe, ent_table, rel_table)


def kernel(query_entities, query_relations, obj_entities, ent_table, rel_table):
    qe = query_entities.astype(jnp.int32).reshape(B // CHUNK, CHUNK)
    qr = query_relations.astype(jnp.int32).reshape(B // CHUNK, CHUNK)
    oe = obj_entities.astype(jnp.int32).reshape(B // CHUNK, CHUNK)
    out_qe, out_qr, out_oe = _gather3(qe, qr, oe, ent_table, rel_table)
    return (out_qe, out_qr, out_oe)

# --- scband reference (transcript-rebuilt; emitter-appended) ---
"""Pipeline reference for scband-dis-mult-11879879541064 (READ-ONLY COPY).

The authoritative reference and input builder live on the scoring server;
editing this copy changes nothing except your own understanding.
"""

import jax, jax.numpy as jnp
import numpy as np

N_ENT = 100000
N_REL = 500
D_MODEL = 128
BATCH = 16384

def setup_inputs(seed: int = 0) -> dict:
    key = jax.random.key(seed)
    k1, k2, k3, k4, k5 = jax.random.split(key, 5)
    query_entities = jax.random.randint(k1, (BATCH,), 0, N_ENT)
    query_relations = jax.random.randint(k2, (BATCH,), 0, N_REL)
    obj_entities = jax.random.randint(k3, (BATCH,), 0, N_ENT)
    ent_table = jax.random.normal(k4, (N_ENT, D_MODEL), dtype=jnp.float32) * 0.02
    rel_table = jax.random.normal(k5, (N_REL, D_MODEL), dtype=jnp.float32) * 0.02
    return {
        "query_entities": query_entities,
        "query_relations": query_relations,
        "obj_entities": obj_entities,
        "ent_table": ent_table,
        "rel_table": rel_table,
    }

def reference(query_entities, query_relations, obj_entities, ent_table, rel_table):
    # Faithful translation of DisMult.forward: three embedding lookups
    # (encoder.get_rel_embedding / get_ent_embedding are plain table gathers).
    query_rel_embeds = jnp.take(rel_table, query_relations, axis=0)
    query_ent_embeds = jnp.take(ent_table, query_entities, axis=0)
    obj_embeds = jnp.take(ent_table, obj_entities, axis=0)
    return (query_ent_embeds, query_rel_embeds, obj_embeds)

if __name__ == "__main__":
    import jax
    _d = setup_inputs()
    print(jax.jit(kernel)(*tuple(_d.values())))

</pallas_src>

<mosaic_0001>
#map = affine_map<(d0, d1) -> (0, 0)>
module attributes {stable_mosaic.version = 14 : i64} {
  func.func @k(%arg0: i32, %arg1: i32, %arg2: memref<128x128xi32, #tpu.memory_space<hbm>>, %arg3: memref<128x128xi32, #tpu.memory_space<hbm>>, %arg4: memref<128x128xi32, #tpu.memory_space<hbm>>, %arg5: memref<100000x128xf32, #tpu.memory_space<hbm>>, %arg6: memref<500x128xf32, #tpu.memory_space<hbm>>, %arg7: memref<16384x128xf32, #tpu.memory_space<hbm>>, %arg8: memref<16384x128xf32, #tpu.memory_space<hbm>>, %arg9: memref<16384x128xf32, #tpu.memory_space<hbm>>, %arg10: memref<4x128xi32, #tpu.memory_space<vmem>>, %arg11: memref<4x128xi32, #tpu.memory_space<vmem>>, %arg12: memref<4x128xi32, #tpu.memory_space<vmem>>, %arg13: memref<256x128xf32, #tpu.memory_space<vmem>>, %arg14: memref<256x128xf32, #tpu.memory_space<vmem>>, %arg15: memref<256x128xf32, #tpu.memory_space<vmem>>, %arg16: memref<500x128xf32, #tpu.memory_space<vmem_shared>>, %arg17: memref<!tpu.dma_semaphore, #tpu.memory_space<semaphore_mem>>, %arg18: memref<!tpu.dma_semaphore, #tpu.memory_space<semaphore_mem>>, %arg19: memref<!tpu.dma_semaphore, #tpu.memory_space<semaphore_mem>>, %arg20: memref<!tpu.dma_semaphore, #tpu.memory_space<semaphore_mem>>, %arg21: memref<!tpu.dma_semaphore, #tpu.memory_space<semaphore_mem>>, %arg22: memref<!tpu.dma_semaphore, #tpu.memory_space<semaphore_mem>>, %arg23: memref<!tpu.dma_semaphore, #tpu.memory_space<semaphore_mem>>, %arg24: memref<!tpu.dma_semaphore, #tpu.memory_space<semaphore_mem>>) attributes {dimension_semantics = [#tpu.dimension_semantics<core_parallel>, #tpu.dimension_semantics<subcore_parallel>], iteration_bounds = array<i64: 2, 16>, scalar_prefetch = 0 : i64, scratch_operands = 15 : i64, tpu.core_type = #tpu.core_type<sc_vector_subcore>, window_params = [{transform_indices = #map}, {transform_indices = #map}, {transform_indices = #map}, {transform_indices = #map}, {transform_indices = #map}, {transform_indices = #map}, {transform_indices = #map}, {transform_indices = #map}]} {
    %mul3A = arith.constant 2 : i32
    %mul3A_0 = arith.muli %arg1, %mul3A : i32
    %add3A = arith.addi %mul3A_0, %arg0 : i32
    %mul3A_1 = arith.constant 4 : i32
    %mul3A_2 = arith.muli %add3A, %mul3A_1 : i32
    %eq3A = arith.constant 0 : i32
    %eq3A_3 = arith.cmpi eq, %arg1, %eq3A : i32
    %convert_element_type3A = arith.extui %eq3A_3 : i1 to i32
    %cond3A = arith.constant 0 : i32
    %cond3A_4 = arith.cmpi ne, %convert_element_type3A, %cond3A : i32
    scf.if %cond3A_4 {
      tpu.enqueue_dma source(%arg6 : memref<500x128xf32, #tpu.memory_space<hbm>>) target(%arg16 : memref<500x128xf32, #tpu.memory_space<vmem_shared>>) target_semaphore(%arg18 : memref<!tpu.dma_semaphore, #tpu.memory_space<semaphore_mem>>)
      tpu.wait_dma2 semaphore(%arg18 : memref<!tpu.dma_semaphore, #tpu.memory_space<semaphore_mem>>) src(%arg6 : memref<500x128xf32, #tpu.memory_space<hbm>>) dst(%arg16 : memref<500x128xf32, #tpu.memory_space<vmem_shared>>)
    } else {
    }
    %dma_start3A = arith.constant 0 : i32
    %dma_start3A_5 = tpu.memref_slice %arg2[%mul3A_2, %dma_start3A] : memref<128x128xi32, #tpu.memory_space<hbm>> -> memref<4x128xi32, #tpu.memory_space<hbm>>
    %dma_start3A_6 = arith.constant 0 : i32
    %dma_start3A_7 = tpu.memref_slice %arg2[%mul3A_2, %dma_start3A_6] : memref<128x128xi32, #tpu.memory_space<hbm>> -> memref<4x128xi32, #tpu.memory_space<hbm>>
    tpu.enqueue_dma source(%dma_start3A_7 : memref<4x128xi32, #tpu.memory_space<hbm>>) target(%arg10 : memref<4x128xi32, #tpu.memory_space<vmem>>) target_semaphore(%arg17 : memref<!tpu.dma_semaphore, #tpu.memory_space<semaphore_mem>>)
    %dma_start3A_8 = arith.constant 0 : i32
    %dma_start3A_9 = tpu.memref_slice %arg3[%mul3A_2, %dma_start3A_8] : memref<128x128xi32, #tpu.memory_space<hbm>> -> memref<4x128xi32, #tpu.memory_space<hbm>>
    %dma_start3A_10 = arith.constant 0 : i32
    %dma_start3A_11 = tpu.memref_slice %arg3[%mul3A_2, %dma_start3A_10] : memref<128x128xi32, #tpu.memory_space<hbm>> -> memref<4x128xi32, #tpu.memory_space<hbm>>
    tpu.enqueue_dma source(%dma_start3A_11 : memref<4x128xi32, #tpu.memory_space<hbm>>) target(%arg11 : memref<4x128xi32, #tpu.memory_space<vmem>>) target_semaphore(%arg17 : memref<!tpu.dma_semaphore, #tpu.memory_space<semaphore_mem>>)
    %dma_start3A_12 = arith.constant 0 : i32
    %dma_start3A_13 = tpu.memref_slice %arg4[%mul3A_2, %dma_start3A_12] : memref<128x128xi32, #tpu.memory_space<hbm>> -> memref<4x128xi32, #tpu.memory_space<hbm>>
    %dma_start3A_14 = arith.constant 0 : i32
    %dma_start3A_15 = tpu.memref_slice %arg4[%mul3A_2, %dma_start3A_14] : memref<128x128xi32, #tpu.memory_space<hbm>> -> memref<4x128xi32, #tpu.memory_space<hbm>>
    tpu.enqueue_dma source(%dma_start3A_15 : memref<4x128xi32, #tpu.memory_space<hbm>>) target(%arg12 : memref<4x128xi32, #tpu.memory_space<vmem>>) target_semaphore(%arg17 : memref<!tpu.dma_semaphore, #tpu.memory_space<semaphore_mem>>)
    %dma_wait3A = arith.constant 0 : i32
    %dma_wait3A_16 = tpu.memref_slice %arg2[%mul3A_2, %dma_wait3A] : memref<128x128xi32, #tpu.memory_space<hbm>> -> memref<4x128xi32, #tpu.memory_space<hbm>>
    %dma_wait3A_17 = arith.constant 0 : i32
    %dma_wait3A_18 = tpu.memref_slice %arg2[%mul3A_2, %dma_wait3A_17] : memref<128x128xi32, #tpu.memory_space<hbm>> -> memref<4x128xi32, #tpu.memory_space<hbm>>
    tpu.wait_dma2 semaphore(%arg17 : memref<!tpu.dma_semaphore, #tpu.memory_space<semaphore_mem>>) src(%dma_wait3A_18 : memref<4x128xi32, #tpu.memory_space<hbm>>) dst(%arg10 : memref<4x128xi32, #tpu.memory_space<vmem>>)
    %dma_wait3A_19 = arith.constant 0 : i32
    %dma_wait3A_20 = tpu.memref_slice %arg3[%mul3A_2, %dma_wait3A_19] : memref<128x128xi32, #tpu.memory_space<hbm>> -> memref<4x128xi32, #tpu.memory_space<hbm>>
    %dma_wait3A_21 = arith.constant 0 : i32
    %dma_wait3A_22 = tpu.memref_slice %arg3[%mul3A_2, %dma_wait3A_21] : memref<128x128xi32, #tpu.memory_space<hbm>> -> memref<4x128xi32, #tpu.memory_space<hbm>>
    tpu.wait_dma2 semaphore(%arg17 : memref<!tpu.dma_semaphore, #tpu.memory_space<semaphore_mem>>) src(%dma_wait3A_22 : memref<4x128xi32, #tpu.memory_space<hbm>>) dst(%arg11 : memref<4x128xi32, #tpu.memory_space<vmem>>)
    %dma_wait3A_23 = arith.constant 0 : i32
    %dma_wait3A_24 = tpu.memref_slice %arg4[%mul3A_2, %dma_wait3A_23] : memref<128x128xi32, #tpu.memory_space<hbm>> -> memref<4x128xi32, #tpu.memory_space<hbm>>
    %dma_wait3A_25 = arith.constant 0 : i32
    %dma_wait3A_26 = tpu.memref_slice %arg4[%mul3A_2, %dma_wait3A_25] : memref<128x128xi32, #tpu.memory_space<hbm>> -> memref<4x128xi32, #tpu.memory_space<hbm>>
    tpu.wait_dma2 semaphore(%arg17 : memref<!tpu.dma_semaphore, #tpu.memory_space<semaphore_mem>>) src(%dma_wait3A_26 : memref<4x128xi32, #tpu.memory_space<hbm>>) dst(%arg12 : memref<4x128xi32, #tpu.memory_space<vmem>>)
    %dma_start3A_27 = arith.constant 0 : i32
    %dma_start3A_28 = arith.constant 0 : i32
    %dma_start3A_29 = arith.constant 0 : i32
    %dma_start3A_30 = tpu.memref_slice %arg13[%dma_start3A_28, %dma_start3A_29] : memref<256x128xf32, #tpu.memory_space<vmem>> -> memref<128x128xf32, #tpu.memory_space<vmem>>
    %dma_start3A_31 = arith.constant 0 : i32
    %dma_start3A_32 = tpu.memref_slice %arg10[%dma_start3A_27, %dma_start3A_31] : memref<4x128xi32, #tpu.memory_space<vmem>> -> memref<1x128xi32, #tpu.memory_space<vmem>>
    %dma_start3A_33 = tpu.memref_squeeze %dma_start3A_32 : memref<1x128xi32, #tpu.memory_space<vmem>> -> memref<128xi32, #tpu.memory_space<vmem>>
    %dma_start3A_34 = arith.constant 0 : i32
    %dma_start3A_35 = arith.constant 0 : i32
    %dma_start3A_36 = tpu.memref_slice %arg5[%dma_start3A_34, %dma_start3A_35] : memref<100000x128xf32, #tpu.memory_space<hbm>> -> memref<100000x128xf32, #tpu.memory_space<hbm>>
    tpu.enqueue_indirect_dma source(%dma_start3A_36 : memref<100000x128xf32, #tpu.memory_space<hbm>>) target(%dma_start3A_30 : memref<128x128xf32, #tpu.memory_space<vmem>>) offsets(%dma_start3A_33 : memref<128xi32, #tpu.memory_space<vmem>>) semaphore(%arg19 : memref<!tpu.dma_semaphore, #tpu.memory_space<semaphore_mem>>)
    %dma_start3A_37 = arith.constant 1 : i32
    %dma_start3A_38 = arith.constant 128 : i32
    %dma_start3A_39 = arith.constant 0 : i32
    %dma_start3A_40 = tpu.memref_slice %arg13[%dma_start3A_38, %dma_start3A_39] : memref<256x128xf32, #tpu.memory_space<vmem>> -> memref<128x128xf32, #tpu.memory_space<vmem>>
    %dma_start3A_41 = arith.constant 0 : i32
    %dma_start3A_42 = tpu.memref_slice %arg10[%dma_start3A_37, %dma_start3A_41] : memref<4x128xi32, #tpu.memory_space<vmem>> -> memref<1x128xi32, #tpu.memory_space<vmem>>
    %dma_start3A_43 = tpu.memref_squeeze %dma_start3A_42 : memref<1x128xi32, #tpu.memory_space<vmem>> -> memref<128xi32, #tpu.memory_space<vmem>>
    %dma_start3A_44 = arith.constant 0 : i32
    %dma_start3A_45 = arith.constant 0 : i32
    %dma_start3A_46 = tpu.memref_slice %arg5[%dma_start3A_44, %dma_start3A_45] : memref<100000x128xf32, #tpu.memory_space<hbm>> -> memref<100000x128xf32, #tpu.memory_space<hbm>>
    tpu.enqueue_indirect_dma source(%dma_start3A_46 : memref<100000x128xf32, #tpu.memory_space<hbm>>) target(%dma_start3A_40 : memref<128x128xf32, #tpu.memory_space<vmem>>) offsets(%dma_start3A_43 : memref<128xi32, #tpu.memory_space<vmem>>) semaphore(%arg19 : memref<!tpu.dma_semaphore, #tpu.memory_space<semaphore_mem>>)
    %dma_start3A_47 = arith.constant 2 : i32
    %dma_start3A_48 = arith.constant 0 : i32
    %dma_start3A_49 = arith.constant 0 : i32
    %dma_start3A_50 = tpu.memref_slice %arg14[%dma_start3A_48, %dma_start3A_49] : memref<256x128xf32, #tpu.memory_space<vmem>> -> memref<128x128xf32, #tpu.memory_space<vmem>>
    %dma_start3A_51 = arith.constant 0 : i32
    %dma_start3A_52 = tpu.memref_slice %arg10[%dma_start3A_47, %dma_start3A_51] : memref<4x128xi32, #tpu.memory_space<vmem>> -> memref<1x128xi32, #tpu.memory_space<vmem>>
    %dma_start3A_53 = tpu.memref_squeeze %dma_start3A_52 : memref<1x128xi32, #tpu.memory_space<vmem>> -> memref<128xi32, #tpu.memory_space<vmem>>
    %dma_start3A_54 = arith.constant 0 : i32
    %dma_start3A_55 = arith.constant 0 : i32
    %dma_start3A_56 = tpu.memref_slice %arg5[%dma_start3A_54, %dma_start3A_55] : memref<100000x128xf32, #tpu.memory_space<hbm>> -> memref<100000x128xf32, #tpu.memory_space<hbm>>
    tpu.enqueue_indirect_dma source(%dma_start3A_56 : memref<100000x128xf32, #tpu.memory_space<hbm>>) target(%dma_start3A_50 : memref<128x128xf32, #tpu.memory_space<vmem>>) offsets(%dma_start3A_53 : memref<128xi32, #tpu.memory_space<vmem>>) semaphore(%arg20 : memref<!tpu.dma_semaphore, #tpu.memory_space<semaphore_mem>>)
    %dma_start3A_57 = arith.constant 3 : i32
    %dma_start3A_58 = arith.constant 128 : i32
    %dma_start3A_59 = arith.constant 0 : i32
    %dma_start3A_60 = tpu.memref_slice %arg14[%dma_start3A_58, %dma_start3A_59] : memref<256x128xf32, #tpu.memory_space<vmem>> -> memref<128x128xf32, #tpu.memory_space<vmem>>
    %dma_start3A_61 = arith.constant 0 : i32
    %dma_start3A_62 = tpu.memref_slice %arg10[%dma_start3A_57, %dma_start3A_61] : memref<4x128xi32, #tpu.memory_space<vmem>> -> memref<1x128xi32, #tpu.memory_space<vmem>>
    %dma_start3A_63 = tpu.memref_squeeze %dma_start3A_62 : memref<1x128xi32, #tpu.memory_space<vmem>> -> memref<128xi32, #tpu.memory_space<vmem>>
    %dma_start3A_64 = arith.constant 0 : i32
    %dma_start3A_65 = arith.constant 0 : i32
    %dma_start3A_66 = tpu.memref_slice %arg5[%dma_start3A_64, %dma_start3A_65] : memref<100000x128xf32, #tpu.memory_space<hbm>> -> memref<100000x128xf32, #tpu.memory_space<hbm>>
    tpu.enqueue_indirect_dma source(%dma_start3A_66 : memref<100000x128xf32, #tpu.memory_space<hbm>>) target(%dma_start3A_60 : memref<128x128xf32, #tpu.memory_space<vmem>>) offsets(%dma_start3A_63 : memref<128xi32, #tpu.memory_space<vmem>>) semaphore(%arg20 : memref<!tpu.dma_semaphore, #tpu.memory_space<semaphore_mem>>)
    %dma_start3A_67 = arith.constant 0 : i32
    %dma_start3A_68 = arith.constant 0 : i32
    %dma_start3A_69 = arith.constant 0 : i32
    %dma_start3A_70 = tpu.memref_slice %arg15[%dma_start3A_68, %dma_start3A_69] : memref<256x128xf32, #tpu.memory_space<vmem>> -> memref<128x128xf32, #tpu.memory_space<vmem>>
    %dma_start3A_71 = arith.constant 0 : i32
    %dma_start3A_72 = tpu.memref_slice %arg12[%dma_start3A_67, %dma_start3A_71] : memref<4x128xi32, #tpu.memory_space<vmem>> -> memref<1x128xi32, #tpu.memory_space<vmem>>
    %dma_start3A_73 = tpu.memref_squeeze %dma_start3A_72 : memref<1x128xi32, #tpu.memory_space<vmem>> -> memref<128xi32, #tpu.memory_space<vmem>>
    %dma_start3A_74 = arith.constant 0 : i32
    %dma_start3A_75 = arith.constant 0 : i32
    %dma_start3A_76 = tpu.memref_slice %arg5[%dma_start3A_74, %dma_start3A_75] : memref<100000x128xf32, #tpu.memory_space<hbm>> -> memref<100000x128xf32, #tpu.memory_space<hbm>>
    tpu.enqueue_indirect_dma source(%dma_start3A_76 : memref<100000x128xf32, #tpu.memory_space<hbm>>) target(%dma_start3A_70 : memref<128x128xf32, #tpu.memory_space<vmem>>) offsets(%dma_start3A_73 : memref<128xi32, #tpu.memory_space<vmem>>) semaphore(%arg21 : memref<!tpu.dma_semaphore, #tpu.memory_space<semaphore_mem>>)
    %dma_start3A_77 = arith.constant 1 : i32
    %dma_start3A_78 = arith.constant 128 : i32
    %dma_start3A_79 = arith.constant 0 : i32
    %dma_start3A_80 = tpu.memref_slice %arg15[%dma_start3A_78, %dma_start3A_79] : memref<256x128xf32, #tpu.memory_space<vmem>> -> memref<128x128xf32, #tpu.memory_space<vmem>>
    %dma_start3A_81 = arith.constant 0 : i32
    %dma_start3A_82 = tpu.memref_slice %arg12[%dma_start3A_77, %dma_start3A_81] : memref<4x128xi32, #tpu.memory_space<vmem>> -> memref<1x128xi32, #tpu.memory_space<vmem>>
    %dma_start3A_83 = tpu.memref_squeeze %dma_start3A_82 : memref<1x128xi32, #tpu.memory_space<vmem>> -> memref<128xi32, #tpu.memory_space<vmem>>
    %dma_start3A_84 = arith.constant 0 : i32
    %dma_start3A_85 = arith.constant 0 : i32
    %dma_start3A_86 = tpu.memref_slice %arg5[%dma_start3A_84, %dma_start3A_85] : memref<100000x128xf32, #tpu.memory_space<hbm>> -> memref<100000x128xf32, #tpu.memory_space<hbm>>
    tpu.enqueue_indirect_dma source(%dma_start3A_86 : memref<100000x128xf32, #tpu.memory_space<hbm>>) target(%dma_start3A_80 : memref<128x128xf32, #tpu.memory_space<vmem>>) offsets(%dma_start3A_83 : memref<128xi32, #tpu.memory_space<vmem>>) semaphore(%arg21 : memref<!tpu.dma_semaphore, #tpu.memory_space<semaphore_mem>>)
    %add3A_87 = arith.constant 0 : i32
    %add3A_88 = arith.addi %mul3A_2, %add3A_87 : i32
    %mul3A_89 = arith.constant 128 : i32
    %mul3A_90 = arith.muli %add3A_88, %mul3A_89 : i32
    %dma_wait3A_91 = arith.constant 0 : i32
    %dma_wait3A_92 = arith.constant 0 : i32
    %dma_wait3A_93 = arith.constant 0 : i32
    %dma_wait3A_94 = tpu.memref_slice %arg13[%dma_wait3A_92, %dma_wait3A_93] : memref<256x128xf32, #tpu.memory_space<vmem>> -> memref<128x128xf32, #tpu.memory_space<vmem>>
    %dma_wait3A_95 = arith.constant 0 : i32
    %dma_wait3A_96 = tpu.memref_slice %arg10[%dma_wait3A_91, %dma_wait3A_95] : memref<4x128xi32, #tpu.memory_space<vmem>> -> memref<1x128xi32, #tpu.memory_space<vmem>>
    %dma_wait3A_97 = tpu.memref_squeeze %dma_wait3A_96 : memref<1x128xi32, #tpu.memory_space<vmem>> -> memref<128xi32, #tpu.memory_space<vmem>>
    %dma_wait3A_98 = arith.constant 0 : i32
    %dma_wait3A_99 = arith.constant 0 : i32
    %dma_wait3A_100 = tpu.memref_slice %arg5[%dma_wait3A_98, %dma_wait3A_99] : memref<100000x128xf32, #tpu.memory_space<hbm>> -> memref<100000x128xf32, #tpu.memory_space<hbm>>
    tpu.wait_indirect_dma semaphore(%arg19 : memref<!tpu.dma_semaphore, #tpu.memory_space<semaphore_mem>>) src(%dma_wait3A_100 : memref<100000x128xf32, #tpu.memory_space<hbm>>) dst(%dma_wait3A_94 : memref<128x128xf32, #tpu.memory_space<vmem>>)
    %dma_wait3A_101 = arith.constant 1 : i32
    %dma_wait3A_102 = arith.constant 128 : i32
    %dma_wait3A_103 = arith.constant 0 : i32
    %dma_wait3A_104 = tpu.memref_slice %arg13[%dma_wait3A_102, %dma_wait3A_103] : memref<256x128xf32, #tpu.memory_space<vmem>> -> memref<128x128xf32, #tpu.memory_space<vmem>>
    %dma_wait3A_105 = arith.constant 0 : i32
    %dma_wait3A_106 = tpu.memref_slice %arg10[%dma_wait3A_101, %dma_wait3A_105] : memref<4x128xi32, #tpu.memory_space<vmem>> -> memref<1x128xi32, #tpu.memory_space<vmem>>
    %dma_wait3A_107 = tpu.memref_squeeze %dma_wait3A_106 : memref<1x128xi32, #tpu.memory_space<vmem>> -> memref<128xi32, #tpu.memory_space<vmem>>
    %dma_wait3A_108 = arith.constant 0 : i32
    %dma_wait3A_109 = arith.constant 0 : i32
    %dma_wait3A_110 = tpu.memref_slice %arg5[%dma_wait3A_108, %dma_wait3A_109] : memref<100000x128xf32, #tpu.memory_space<hbm>> -> memref<100000x128xf32, #tpu.memory_space<hbm>>
    tpu.wait_indirect_dma semaphore(%arg19 : memref<!tpu.dma_semaphore, #tpu.memory_space<semaphore_mem>>) src(%dma_wait3A_110 : memref<100000x128xf32, #tpu.memory_space<hbm>>) dst(%dma_wait3A_104 : memref<128x128xf32, #tpu.memory_space<vmem>>)
    %dma_start3A_111 = arith.constant 0 : i32
    %dma_start3A_112 = tpu.memref_slice %arg7[%mul3A_90, %dma_start3A_111] : memref<16384x128xf32, #tpu.memory_space<hbm>> -> memref<256x128xf32, #tpu.memory_space<hbm>>
    %dma_start3A_113 = arith.constant 0 : i32
    %dma_start3A_114 = tpu.memref_slice %arg7[%mul3A_90, %dma_start3A_113] : memref<16384x128xf32, #tpu.memory_space<hbm>> -> memref<256x128xf32, #tpu.memory_space<hbm>>
    tpu.enqueue_dma source(%arg13 : memref<256x128xf32, #tpu.memory_space<vmem>>) target(%dma_start3A_114 : memref<256x128xf32, #tpu.memory_space<hbm>>) target_semaphore(%arg22 : memref<!tpu.dma_semaphore, #tpu.memory_space<semaphore_mem>>)
    %dma_wait3A_115 = arith.constant 0 : i32
    %dma_wait3A_116 = tpu.memref_slice %arg7[%mul3A_90, %dma_wait3A_115] : memref<16384x128xf32, #tpu.memory_space<hbm>> -> memref<256x128xf32, #tpu.memory_space<hbm>>
    %dma_wait3A_117 = arith.constant 0 : i32
    %dma_wait3A_118 = tpu.memref_slice %arg7[%mul3A_90, %dma_wait3A_117] : memref<16384x128xf32, #tpu.memory_space<hbm>> -> memref<256x128xf32, #tpu.memory_space<hbm>>
    tpu.wait_dma2 semaphore(%arg22 : memref<!tpu.dma_semaphore, #tpu.memory_space<semaphore_mem>>) src(%arg13 : memref<256x128xf32, #tpu.memory_space<vmem>>) dst(%dma_wait3A_118 : memref<256x128xf32, #tpu.memory_space<hbm>>)
    %dma_start3A_119 = arith.constant 2 : i32
    %dma_start3A_120 = arith.constant 0 : i32
    %dma_start3A_121 = arith.constant 0 : i32
    %dma_start3A_122 = tpu.memref_slice %arg13[%dma_start3A_120, %dma_start3A_121] : memref<256x128xf32, #tpu.memory_space<vmem>> -> memref<128x128xf32, #tpu.memory_space<vmem>>
    %dma_start3A_123 = arith.constant 0 : i32
    %dma_start3A_124 = tpu.memref_slice %arg12[%dma_start3A_119, %dma_start3A_123] : memref<4x128xi32, #tpu.memory_space<vmem>> -> memref<1x128xi32, #tpu.memory_space<vmem>>
    %dma_start3A_125 = tpu.memref_squeeze %dma_start3A_124 : memref<1x128xi32, #tpu.memory_space<vmem>> -> memref<128xi32, #tpu.memory_space<vmem>>
    %dma_start3A_126 = arith.constant 0 : i32
    %dma_start3A_127 = arith.constant 0 : i32
    %dma_start3A_128 = tpu.memref_slice %arg5[%dma_start3A_126, %dma_start3A_127] : memref<100000x128xf32, #tpu.memory_space<hbm>> -> memref<100000x128xf32, #tpu.memory_space<hbm>>
    tpu.enqueue_indirect_dma source(%dma_start3A_128 : memref<100000x128xf32, #tpu.memory_space<hbm>>) target(%dma_start3A_122 : memref<128x128xf32, #tpu.memory_space<vmem>>) offsets(%dma_start3A_125 : memref<128xi32, #tpu.memory_space<vmem>>) semaphore(%arg19 : memref<!tpu.dma_semaphore, #tpu.memory_space<semaphore_mem>>)
    %dma_start3A_129 = arith.constant 3 : i32
    %dma_start3A_130 = arith.constant 128 : i32
    %dma_start3A_131 = arith.constant 0 : i32
    %dma_start3A_132 = tpu.memref_slice %arg13[%dma_start3A_130, %dma_start3A_131] : memref<256x128xf32, #tpu.memory_space<vmem>> -> memref<128x128xf32, #tpu.memory_space<vmem>>
    %dma_start3A_133 = arith.constant 0 : i32
    %dma_start3A_134 = tpu.memref_slice %arg12[%dma_start3A_129, %dma_start3A_133] : memref<4x128xi32, #tpu.memory_space<vmem>> -> memref<1x128xi32, #tpu.memory_space<vmem>>
    %dma_start3A_135 = tpu.memref_squeeze %dma_start3A_134 : memref<1x128xi32, #tpu.memory_space<vmem>> -> memref<128xi32, #tpu.memory_space<vmem>>
    %dma_start3A_136 = arith.constant 0 : i32
    %dma_start3A_137 = arith.constant 0 : i32
    %dma_start3A_138 = tpu.memref_slice %arg5[%dma_start3A_136, %dma_start3A_137] : memref<100000x128xf32, #tpu.memory_space<hbm>> -> memref<100000x128xf32, #tpu.memory_space<hbm>>
    tpu.enqueue_indirect_dma source(%dma_start3A_138 : memref<100000x128xf32, #tpu.memory_space<hbm>>) target(%dma_start3A_132 : memref<128x128xf32, #tpu.memory_space<vmem>>) offsets(%dma_start3A_135 : memref<128xi32, #tpu.memory_space<vmem>>) semaphore(%arg19 : memref<!tpu.dma_semaphore, #tpu.memory_space<semaphore_mem>>)
    %add3A_139 = arith.constant 2 : i32
    %add3A_140 = arith.addi %mul3A_2, %add3A_139 : i32
    %mul3A_141 = arith.constant 128 : i32
    %mul3A_142 = arith.muli %add3A_140, %mul3A_141 : i32
    %dma_wait3A_143 = arith.constant 2 : i32
    %dma_wait3A_144 = arith.constant 0 : i32
    %dma_wait3A_145 = arith.constant 0 : i32
    %dma_wait3A_146 = tpu.memref_slice %arg14[%dma_wait3A_144, %dma_wait3A_145] : memref<256x128xf32, #tpu.memory_space<vmem>> -> memref<128x128xf32, #tpu.memory_space<vmem>>
    %dma_wait3A_147 = arith.constant 0 : i32
    %dma_wait3A_148 = tpu.memref_slice %arg10[%dma_wait3A_143, %dma_wait3A_147] : memref<4x128xi32, #tpu.memory_space<vmem>> -> memref<1x128xi32, #tpu.memory_space<vmem>>
    %dma_wait3A_149 = tpu.memref_squeeze %dma_wait3A_148 : memref<1x128xi32, #tpu.memory_space<vmem>> -> memref<128xi32, #tpu.memory_space<vmem>>
    %dma_wait3A_150 = arith.constant 0 : i32
    %dma_wait3A_151 = arith.constant 0 : i32
    %dma_wait3A_152 = tpu.memref_slice %arg5[%dma_wait3A_150, %dma_wait3A_151] : memref<100000x128xf32, #tpu.memory_space<hbm>> -> memref<100000x128xf32, #tpu.memory_space<hbm>>
    tpu.wait_indirect_dma semaphore(%arg20 : memref<!tpu.dma_semaphore, #tpu.memory_space<semaphore_mem>>) src(%dma_wait3A_152 : memref<100000x128xf32, #tpu.memory_space<hbm>>) dst(%dma_wait3A_146 : memref<128x128xf32, #tpu.memory_space<vmem>>)
    %dma_wait3A_153 = arith.constant 3 : i32
    %dma_wait3A_154 = arith.constant 128 : i32
    %dma_wait3A_155 = arith.constant 0 : i32
    %dma_wait3A_156 = tpu.memref_slice %arg14[%dma_wait3A_154, %dma_wait3A_155] : memref<256x128xf32, #tpu.memory_space<vmem>> -> memref<128x128xf32, #tpu.memory_space<vmem>>
    %dma_wait3A_157 = arith.constant 0 : i32
    %dma_wait3A_158 = tpu.memref_slice %arg10[%dma_wait3A_153, %dma_wait3A_157] : memref<4x128xi32, #tpu.memory_space<vmem>> -> memref<1x128xi32, #tpu.memory_space<vmem>>
    %dma_wait3A_159 = tpu.memref_squeeze %dma_wait3A_158 : memref<1x128xi32, #tpu.memory_space<vmem>> -> memref<128xi32, #tpu.memory_space<vmem>>
    %dma_wait3A_160 = arith.constant 0 : i32
    %dma_wait3A_161 = arith.constant 0 : i32
    %dma_wait3A_162 = tpu.memref_slice %arg5[%dma_wait3A_160, %dma_wait3A_161] : memref<100000x128xf32, #tpu.memory_space<hbm>> -> memref<100000x128xf32, #tpu.memory_space<hbm>>
    tpu.wait_indirect_dma semaphore(%arg20 : memref<!tpu.dma_semaphore, #tpu.memory_space<semaphore_mem>>) src(%dma_wait3A_162 : memref<100000x128xf32, #tpu.memory_space<hbm>>) dst(%dma_wait3A_156 : memref<128x128xf32, #tpu.memory_space<vmem>>)
    %dma_start3A_163 = arith.constant 0 : i32
    %dma_start3A_164 = tpu.memref_slice %arg7[%mul3A_142, %dma_start3A_163] : memref<16384x128xf32, #tpu.memory_space<hbm>> -> memref<256x128xf32, #tpu.memory_space<hbm>>
    %dma_start3A_165 = arith.constant 0 : i32
    %dma_start3A_166 = tpu.memref_slice %arg7[%mul3A_142, %dma_start3A_165] : memref<16384x128xf32, #tpu.memory_space<hbm>> -> memref<256x128xf32, #tpu.memory_space<hbm>>
    tpu.enqueue_dma source(%arg14 : memref<256x128xf32, #tpu.memory_space<vmem>>) target(%dma_start3A_166 : memref<256x128xf32, #tpu.memory_space<hbm>>) target_semaphore(%arg23 : memref<!tpu.dma_semaphore, #tpu.memory_space<semaphore_mem>>)
    %dma_wait3A_167 = arith.constant 0 : i32
    %dma_wait3A_168 = tpu.memref_slice %arg7[%mul3A_142, %dma_wait3A_167] : memref<16384x128xf32, #tpu.memory_space<hbm>> -> memref<256x128xf32, #tpu.memory_space<hbm>>
    %dma_wait3A_169 = arith.constant 0 : i32
    %dma_wait3A_170 = tpu.memref_slice %arg7[%mul3A_142, %dma_wait3A_169] : memref<16384x128xf32, #tpu.memory_space<hbm>> -> memref<256x128xf32, #tpu.memory_space<hbm>>
    tpu.wait_dma2 semaphore(%arg23 : memref<!tpu.dma_semaphore, #tpu.memory_space<semaphore_mem>>) src(%arg14 : memref<256x128xf32, #tpu.memory_space<vmem>>) dst(%dma_wait3A_170 : memref<256x128xf32, #tpu.memory_space<hbm>>)
    %barrier3A = arith.constant 0 : index
    tpu.barrier barrier_id(%barrier3A)
    %dma_start3A_171 = arith.constant 0 : i32
    %dma_start3A_172 = arith.constant 0 : i32
    %dma_start3A_173 = arith.constant 0 : i32
    %dma_start3A_174 = tpu.memref_slice %arg14[%dma_start3A_172, %dma_start3A_173] : memref<256x128xf32, #tpu.memory_space<vmem>> -> memref<128x128xf32, #tpu.memory_space<vmem>>
    %dma_start3A_175 = arith.constant 0 : i32
    %dma_start3A_176 = tpu.memref_slice %arg11[%dma_start3A_171, %dma_start3A_175] : memref<4x128xi32, #tpu.memory_space<vmem>> -> memref<1x128xi32, #tpu.memory_space<vmem>>
    %dma_start3A_177 = tpu.memref_squeeze %dma_start3A_176 : memref<1x128xi32, #tpu.memory_space<vmem>> -> memref<128xi32, #tpu.memory_space<vmem>>
    %dma_start3A_178 = arith.constant 0 : i32
    %dma_start3A_179 = arith.constant 0 : i32
    %dma_start3A_180 = tpu.memref_slice %arg16[%dma_start3A_178, %dma_start3A_179] : memref<500x128xf32, #tpu.memory_space<vmem_shared>> -> memref<500x128xf32, #tpu.memory_space<vmem_shared>>
    tpu.enqueue_indirect_dma source(%dma_start3A_180 : memref<500x128xf32, #tpu.memory_space<vmem_shared>>) target(%dma_start3A_174 : memref<128x128xf32, #tpu.memory_space<vmem>>) offsets(%dma_start3A_177 : memref<128xi32, #tpu.memory_space<vmem>>) semaphore(%arg20 : memref<!tpu.dma_semaphore, #tpu.memory_space<semaphore_mem>>)
    %dma_start3A_181 = arith.constant 1 : i32
    %dma_start3A_182 = arith.constant 128 : i32
    %dma_start3A_183 = arith.constant 0 : i32
    %dma_start3A_184 = tpu.memref_slice %arg14[%dma_start3A_182, %dma_start3A_183] : memref<256x128xf32, #tpu.memory_space<vmem>> -> memref<128x128xf32, #tpu.memory_space<vmem>>
    %dma_start3A_185 = arith.constant 0 : i32
    %dma_start3A_186 = tpu.memref_slice %arg11[%dma_start3A_181, %dma_start3A_185] : memref<4x128xi32, #tpu.memory_space<vmem>> -> memref<1x128xi32, #tpu.memory_space<vmem>>
    %dma_start3A_187 = tpu.memref_squeeze %dma_start3A_186 : memref<1x128xi32, #tpu.memory_space<vmem>> -> memref<128xi32, #tpu.memory_space<vmem>>
    %dma_start3A_188 = arith.constant 0 : i32
    %dma_start3A_189 = arith.constant 0 : i32
    %dma_start3A_190 = tpu.memref_slice %arg16[%dma_start3A_188, %dma_start3A_189] : memref<500x128xf32, #tpu.memory_space<vmem_shared>> -> memref<500x128xf32, #tpu.memory_space<vmem_shared>>
    tpu.enqueue_indirect_dma source(%dma_start3A_190 : memref<500x128xf32, #tpu.memory_space<vmem_shared>>) target(%dma_start3A_184 : memref<128x128xf32, #tpu.memory_space<vmem>>) offsets(%dma_start3A_187 : memref<128xi32, #tpu.memory_space<vmem>>) semaphore(%arg20 : memref<!tpu.dma_semaphore, #tpu.memory_space<semaphore_mem>>)
    %add3A_191 = arith.constant 0 : i32
    %add3A_192 = arith.addi %mul3A_2, %add3A_191 : i32
    %mul3A_193 = arith.constant 128 : i32
    %mul3A_194 = arith.muli %add3A_192, %mul3A_193 : i32
    %dma_wait3A_195 = arith.constant 0 : i32
    %dma_wait3A_196 = arith.constant 0 : i32
    %dma_wait3A_197 = arith.constant 0 : i32
    %dma_wait3A_198 = tpu.memref_slice %arg15[%dma_wait3A_196, %dma_wait3A_197] : memref<256x128xf32, #tpu.memory_space<vmem>> -> memref<128x128xf32, #tpu.memory_space<vmem>>
    %dma_wait3A_199 = arith.constant 0 : i32
    %dma_wait3A_200 = tpu.memref_slice %arg12[%dma_wait3A_195, %dma_wait3A_199] : memref<4x128xi32, #tpu.memory_space<vmem>> -> memref<1x128xi32, #tpu.memory_space<vmem>>
    %dma_wait3A_201 = tpu.memref_squeeze %dma_wait3A_200 : memref<1x128xi32, #tpu.memory_space<vmem>> -> memref<128xi32, #tpu.memory_space<vmem>>
    %dma_wait3A_202 = arith.constant 0 : i32
    %dma_wait3A_203 = arith.constant 0 : i32
    %dma_wait3A_204 = tpu.memref_slice %arg5[%dma_wait3A_202, %dma_wait3A_203] : memref<100000x128xf32, #tpu.memory_space<hbm>> -> memref<100000x128xf32, #tpu.memory_space<hbm>>
    tpu.wait_indirect_dma semaphore(%arg21 : memref<!tpu.dma_semaphore, #tpu.memory_space<semaphore_mem>>) src(%dma_wait3A_204 : memref<100000x128xf32, #tpu.memory_space<hbm>>) dst(%dma_wait3A_198 : memref<128x128xf32, #tpu.memory_space<vmem>>)
    %dma_wait3A_205 = arith.constant 1 : i32
    %dma_wait3A_206 = arith.constant 128 : i32
    %dma_wait3A_207 = arith.constant 0 : i32
    %dma_wait3A_208 = tpu.memref_slice %arg15[%dma_wait3A_206, %dma_wait3A_207] : memref<256x128xf32, #tpu.memory_space<vmem>> -> memref<128x128xf32, #tpu.memory_space<vmem>>
    %dma_wait3A_209 = arith.constant 0 : i32
    %dma_wait3A_210 = tpu.memref_slice %arg12[%dma_wait3A_205, %dma_wait3A_209] : memref<4x128xi32, #tpu.memory_space<vmem>> -> memref<1x128xi32, #tpu.memory_space<vmem>>
    %dma_wait3A_211 = tpu.memref_squeeze %dma_wait3A_210 : memref<1x128xi32, #tpu.memory_space<vmem>> -> memref<128xi32, #tpu.memory_space<vmem>>
    %dma_wait3A_212 = arith.constant 0 : i32
    %dma_wait3A_213 = arith.constant 0 : i32
    %dma_wait3A_214 = tpu.memref_slice %arg5[%dma_wait3A_212, %dma_wait3A_213] : memref<100000x128xf32, #tpu.memory_space<hbm>> -> memref<100000x128xf32, #tpu.memory_space<hbm>>
    tpu.wait_indirect_dma semaphore(%arg21 : memref<!tpu.dma_semaphore, #tpu.memory_space<semaphore_mem>>) src(%dma_wait3A_214 : memref<100000x128xf32, #tpu.memory_space<hbm>>) dst(%dma_wait3A_208 : memref<128x128xf32, #tpu.memory_space<vmem>>)
    %dma_start3A_215 = arith.constant 0 : i32
    %dma_start3A_216 = tpu.memref_slice %arg9[%mul3A_194, %dma_start3A_215] : memref<16384x128xf32, #tpu.memory_space<hbm>> -> memref<256x128xf32, #tpu.memory_space<hbm>>
    %dma_start3A_217 = arith.constant 0 : i32
    %dma_start3A_218 = tpu.memref_slice %arg9[%mul3A_194, %dma_start3A_217] : memref<16384x128xf32, #tpu.memory_space<hbm>> -> memref<256x128xf32, #tpu.memory_space<hbm>>
    tpu.enqueue_dma source(%arg15 : memref<256x128xf32, #tpu.memory_space<vmem>>) target(%dma_start3A_218 : memref<256x128xf32, #tpu.memory_space<hbm>>) target_semaphore(%arg24 : memref<!tpu.dma_semaphore, #tpu.memory_space<semaphore_mem>>)
    %dma_wait3A_219 = arith.constant 0 : i32
    %dma_wait3A_220 = tpu.memref_slice %arg9[%mul3A_194, %dma_wait3A_219] : memref<16384x128xf32, #tpu.memory_space<hbm>> -> memref<256x128xf32, #tpu.memory_space<hbm>>
    %dma_wait3A_221 = arith.constant 0 : i32
    %dma_wait3A_222 = tpu.memref_slice %arg9[%mul3A_194, %dma_wait3A_221] : memref<16384x128xf32, #tpu.memory_space<hbm>> -> memref<256x128xf32, #tpu.memory_space<hbm>>
    tpu.wait_dma2 semaphore(%arg24 : memref<!tpu.dma_semaphore, #tpu.memory_space<semaphore_mem>>) src(%arg15 : memref<256x128xf32, #tpu.memory_space<vmem>>) dst(%dma_wait3A_222 : memref<256x128xf32, #tpu.memory_space<hbm>>)
    %dma_start3A_223 = arith.constant 2 : i32
    %dma_start3A_224 = arith.constant 0 : i32
    %dma_start3A_225 = arith.constant 0 : i32
    %dma_start3A_226 = tpu.memref_slice %arg15[%dma_start3A_224, %dma_start3A_225] : memref<256x128xf32, #tpu.memory_space<vmem>> -> memref<128x128xf32, #tpu.memory_space<vmem>>
    %dma_start3A_227 = arith.constant 0 : i32
    %dma_start3A_228 = tpu.memref_slice %arg11[%dma_start3A_223, %dma_start3A_227] : memref<4x128xi32, #tpu.memory_space<vmem>> -> memref<1x128xi32, #tpu.memory_space<vmem>>
    %dma_start3A_229 = tpu.memref_squeeze %dma_start3A_228 : memref<1x128xi32, #tpu.memory_space<vmem>> -> memref<128xi32, #tpu.memory_space<vmem>>
    %dma_start3A_230 = arith.constant 0 : i32
    %dma_start3A_231 = arith.constant 0 : i32
    %dma_start3A_232 = tpu.memref_slice %arg16[%dma_start3A_230, %dma_start3A_231] : memref<500x128xf32, #tpu.memory_space<vmem_shared>> -> memref<500x128xf32, #tpu.memory_space<vmem_shared>>
    tpu.enqueue_indirect_dma source(%dma_start3A_232 : memref<500x128xf32, #tpu.memory_space<vmem_shared>>) target(%dma_start3A_226 : memref<128x128xf32, #tpu.memory_space<vmem>>) offsets(%dma_start3A_229 : memref<128xi32, #tpu.memory_space<vmem>>) semaphore(%arg21 : memref<!tpu.dma_semaphore, #tpu.memory_space<semaphore_mem>>)
    %dma_start3A_233 = arith.constant 3 : i32
    %dma_start3A_234 = arith.constant 128 : i32
    %dma_start3A_235 = arith.constant 0 : i32
    %dma_start3A_236 = tpu.memref_slice %arg15[%dma_start3A_234, %dma_start3A_235] : memref<256x128xf32, #tpu.memory_space<vmem>> -> memref<128x128xf32, #tpu.memory_space<vmem>>
    %dma_start3A_237 = arith.constant 0 : i32
    %dma_start3A_238 = tpu.memref_slice %arg11[%dma_start3A_233, %dma_start3A_237] : memref<4x128xi32, #tpu.memory_space<vmem>> -> memref<1x128xi32, #tpu.memory_space<vmem>>
    %dma_start3A_239 = tpu.memref_squeeze %dma_start3A_238 : memref<1x128xi32, #tpu.memory_space<vmem>> -> memref<128xi32, #tpu.memory_space<vmem>>
    %dma_start3A_240 = arith.constant 0 : i32
    %dma_start3A_241 = arith.constant 0 : i32
    %dma_start3A_242 = tpu.memref_slice %arg16[%dma_start3A_240, %dma_start3A_241] : memref<500x128xf32, #tpu.memory_space<vmem_shared>> -> memref<500x128xf32, #tpu.memory_space<vmem_shared>>
    tpu.enqueue_indirect_dma source(%dma_start3A_242 : memref<500x128xf32, #tpu.memory_space<vmem_shared>>) target(%dma_start3A_236 : memref<128x128xf32, #tpu.memory_space<vmem>>) offsets(%dma_start3A_239 : memref<128xi32, #tpu.memory_space<vmem>>) semaphore(%arg21 : memref<!tpu.dma_semaphore, #tpu.memory_space<semaphore_mem>>)
    %add3A_243 = arith.constant 2 : i32
    %add3A_244 = arith.addi %mul3A_2, %add3A_243 : i32
    %mul3A_245 = arith.constant 128 : i32
    %mul3A_246 = arith.muli %add3A_244, %mul3A_245 : i32
    %dma_wait3A_247 = arith.constant 2 : i32
    %dma_wait3A_248 = arith.constant 0 : i32
    %dma_wait3A_249 = arith.constant 0 : i32
    %dma_wait3A_250 = tpu.memref_slice %arg13[%dma_wait3A_248, %dma_wait3A_249] : memref<256x128xf32, #tpu.memory_space<vmem>> -> memref<128x128xf32, #tpu.memory_space<vmem>>
    %dma_wait3A_251 = arith.constant 0 : i32
    %dma_wait3A_252 = tpu.memref_slice %arg12[%dma_wait3A_247, %dma_wait3A_251] : memref<4x128xi32, #tpu.memory_space<vmem>> -> memref<1x128xi32, #tpu.memory_space<vmem>>
    %dma_wait3A_253 = tpu.memref_squeeze %dma_wait3A_252 : memref<1x128xi32, #tpu.memory_space<vmem>> -> memref<128xi32, #tpu.memory_space<vmem>>
    %dma_wait3A_254 = arith.constant 0 : i32
    %dma_wait3A_255 = arith.constant 0 : i32
    %dma_wait3A_256 = tpu.memref_slice %arg5[%dma_wait3A_254, %dma_wait3A_255] : memref<100000x128xf32, #tpu.memory_space<hbm>> -> memref<100000x128xf32, #tpu.memory_space<hbm>>
    tpu.wait_indirect_dma semaphore(%arg19 : memref<!tpu.dma_semaphore, #tpu.memory_space<semaphore_mem>>) src(%dma_wait3A_256 : memref<100000x128xf32, #tpu.memory_space<hbm>>) dst(%dma_wait3A_250 : memref<128x128xf32, #tpu.memory_space<vmem>>)
    %dma_wait3A_257 = arith.constant 3 : i32
    %dma_wait3A_258 = arith.constant 128 : i32
    %dma_wait3A_259 = arith.constant 0 : i32
    %dma_wait3A_260 = tpu.memref_slice %arg13[%dma_wait3A_258, %dma_wait3A_259] : memref<256x128xf32, #tpu.memory_space<vmem>> -> memref<128x128xf32, #tpu.memory_space<vmem>>
    %dma_wait3A_261 = arith.constant 0 : i32
    %dma_wait3A_262 = tpu.memref_slice %arg12[%dma_wait3A_257, %dma_wait3A_261] : memref<4x128xi32, #tpu.memory_space<vmem>> -> memref<1x128xi32, #tpu.memory_space<vmem>>
    %dma_wait3A_263 = tpu.memref_squeeze %dma_wait3A_262 : memref<1x128xi32, #tpu.memory_space<vmem>> -> memref<128xi32, #tpu.memory_space<vmem>>
    %dma_wait3A_264 = arith.constant 0 : i32
    %dma_wait3A_265 = arith.constant 0 : i32
    %dma_wait3A_266 = tpu.memref_slice %arg5[%dma_wait3A_264, %dma_wait3A_265] : memref<100000x128xf32, #tpu.memory_space<hbm>> -> memref<100000x128xf32, #tpu.memory_space<hbm>>
    tpu.wait_indirect_dma semaphore(%arg19 : memref<!tpu.dma_semaphore, #tpu.memory_space<semaphore_mem>>) src(%dma_wait3A_266 : memref<100000x128xf32, #tpu.memory_space<hbm>>) dst(%dma_wait3A_260 : memref<128x128xf32, #tpu.memory_space<vmem>>)
    %dma_start3A_267 = arith.constant 0 : i32
    %dma_start3A_268 = tpu.memref_slice %arg9[%mul3A_246, %dma_start3A_267] : memref<16384x128xf32, #tpu.memory_space<hbm>> -> memref<256x128xf32, #tpu.memory_space<hbm>>
    %dma_start3A_269 = arith.constant 0 : i32
    %dma_start3A_270 = tpu.memref_slice %arg9[%mul3A_246, %dma_start3A_269] : memref<16384x128xf32, #tpu.memory_space<hbm>> -> memref<256x128xf32, #tpu.memory_space<hbm>>
    tpu.enqueue_dma source(%arg13 : memref<256x128xf32, #tpu.memory_space<vmem>>) target(%dma_start3A_270 : memref<256x128xf32, #tpu.memory_space<hbm>>) target_semaphore(%arg22 : memref<!tpu.dma_semaphore, #tpu.memory_space<semaphore_mem>>)
    %add3A_271 = arith.constant 0 : i32
    %add3A_272 = arith.addi %mul3A_2, %add3A_271 : i32
    %mul3A_273 = arith.constant 128 : i32
    %mul3A_274 = arith.muli %add3A_272, %mul3A_273 : i32
    %dma_wait3A_275 = arith.constant 0 : i32
    %dma_wait3A_276 = arith.constant 0 : i32
    %dma_wait3A_277 = arith.constant 0 : i32
    %dma_wait3A_278 = tpu.memref_slice %arg14[%dma_wait3A_276, %dma_wait3A_277] : memref<256x128xf32, #tpu.memory_space<vmem>> -> memref<128x128xf32, #tpu.memory_space<vmem>>
    %dma_wait3A_279 = arith.constant 0 : i32
    %dma_wait3A_280 = tpu.memref_slice %arg11[%dma_wait3A_275, %dma_wait3A_279] : memref<4x128xi32, #tpu.memory_space<vmem>> -> memref<1x128xi32, #tpu.memory_space<vmem>>
    %dma_wait3A_281 = tpu.memref_squeeze %dma_wait3A_280 : memref<1x128xi32, #tpu.memory_space<vmem>> -> memref<128xi32, #tpu.memory_space<vmem>>
    %dma_wait3A_282 = arith.constant 0 : i32
    %dma_wait3A_283 = arith.constant 0 : i32
    %dma_wait3A_284 = tpu.memref_slice %arg16[%dma_wait3A_282, %dma_wait3A_283] : memref<500x128xf32, #tpu.memory_space<vmem_shared>> -> memref<500x128xf32, #tpu.memory_space<vmem_shared>>
    tpu.wait_indirect_dma semaphore(%arg20 : memref<!tpu.dma_semaphore, #tpu.memory_space<semaphore_mem>>) src(%dma_wait3A_284 : memref<500x128xf32, #tpu.memory_space<vmem_shared>>) dst(%dma_wait3A_278 : memref<128x128xf32, #tpu.memory_space<vmem>>)
    %dma_wait3A_285 = arith.constant 1 : i32
    %dma_wait3A_286 = arith.constant 128 : i32
    %dma_wait3A_287 = arith.constant 0 : i32
    %dma_wait3A_288 = tpu.memref_slice %arg14[%dma_wait3A_286, %dma_wait3A_287] : memref<256x128xf32, #tpu.memory_space<vmem>> -> memref<128x128xf32, #tpu.memory_space<vmem>>
    %dma_wait3A_289 = arith.constant 0 : i32
    %dma_wait3A_290 = tpu.memref_slice %arg11[%dma_wait3A_285, %dma_wait3A_289] : memref<4x128xi32, #tpu.memory_space<vmem>> -> memref<1x128xi32, #tpu.memory_space<vmem>>
    %dma_wait3A_291 = tpu.memref_squeeze %dma_wait3A_290 : memref<1x128xi32, #tpu.memory_space<vmem>> -> memref<128xi32, #tpu.memory_space<vmem>>
    %dma_wait3A_292 = arith.constant 0 : i32
    %dma_wait3A_293 = arith.constant 0 : i32
    %dma_wait3A_294 = tpu.memref_slice %arg16[%dma_wait3A_292, %dma_wait3A_293] : memref<500x128xf32, #tpu.memory_space<vmem_shared>> -> memref<500x128xf32, #tpu.memory_space<vmem_shared>>
    tpu.wait_indirect_dma semaphore(%arg20 : memref<!tpu.dma_semaphore, #tpu.memory_space<semaphore_mem>>) src(%dma_wait3A_294 : memref<500x128xf32, #tpu.memory_space<vmem_shared>>) dst(%dma_wait3A_288 : memref<128x128xf32, #tpu.memory_space<vmem>>)
    %dma_start3A_295 = arith.constant 0 : i32
    %dma_start3A_296 = tpu.memref_slice %arg8[%mul3A_274, %dma_start3A_295] : memref<16384x128xf32, #tpu.memory_space<hbm>> -> memref<256x128xf32, #tpu.memory_space<hbm>>
    %dma_start3A_297 = arith.constant 0 : i32
    %dma_start3A_298 = tpu.memref_slice %arg8[%mul3A_274, %dma_start3A_297] : memref<16384x128xf32, #tpu.memory_space<hbm>> -> memref<256x128xf32, #tpu.memory_space<hbm>>
    tpu.enqueue_dma source(%arg14 : memref<256x128xf32, #tpu.memory_space<vmem>>) target(%dma_start3A_298 : memref<256x128xf32, #tpu.memory_space<hbm>>) target_semaphore(%arg23 : memref<!tpu.dma_semaphore, #tpu.memory_space<semaphore_mem>>)
    %add3A_299 = arith.constant 2 : i32
    %add3A_300 = arith.addi %mul3A_2, %add3A_299 : i32
    %mul3A_301 = arith.constant 128 : i32
    %mul3A_302 = arith.muli %add3A_300, %mul3A_301 : i32
    %dma_wait3A_303 = arith.constant 2 : i32
    %dma_wait3A_304 = arith.constant 0 : i32
    %dma_wait3A_305 = arith.constant 0 : i32
    %dma_wait3A_306 = tpu.memref_slice %arg15[%dma_wait3A_304, %dma_wait3A_305] : memref<256x128xf32, #tpu.memory_space<vmem>> -> memref<128x128xf32, #tpu.memory_space<vmem>>
    %dma_wait3A_307 = arith.constant 0 : i32
    %dma_wait3A_308 = tpu.memref_slice %arg11[%dma_wait3A_303, %dma_wait3A_307] : memref<4x128xi32, #tpu.memory_space<vmem>> -> memref<1x128xi32, #tpu.memory_space<vmem>>
    %dma_wait3A_309 = tpu.memref_squeeze %dma_wait3A_308 : memref<1x128xi32, #tpu.memory_space<vmem>> -> memref<128xi32, #tpu.memory_space<vmem>>
    %dma_wait3A_310 = arith.constant 0 : i32
    %dma_wait3A_311 = arith.constant 0 : i32
    %dma_wait3A_312 = tpu.memref_slice %arg16[%dma_wait3A_310, %dma_wait3A_311] : memref<500x128xf32, #tpu.memory_space<vmem_shared>> -> memref<500x128xf32, #tpu.memory_space<vmem_shared>>
    tpu.wait_indirect_dma semaphore(%arg21 : memref<!tpu.dma_semaphore, #tpu.memory_space<semaphore_mem>>) src(%dma_wait3A_312 : memref<500x128xf32, #tpu.memory_space<vmem_shared>>) dst(%dma_wait3A_306 : memref<128x128xf32, #tpu.memory_space<vmem>>)
    %dma_wait3A_313 = arith.constant 3 : i32
    %dma_wait3A_314 = arith.constant 128 : i32
    %dma_wait3A_315 = arith.constant 0 : i32
    %dma_wait3A_316 = tpu.memref_slice %arg15[%dma_wait3A_314, %dma_wait3A_315] : memref<256x128xf32, #tpu.memory_space<vmem>> -> memref<128x128xf32, #tpu.memory_space<vmem>>
    %dma_wait3A_317 = arith.constant 0 : i32
    %dma_wait3A_318 = tpu.memref_slice %arg11[%dma_wait3A_313, %dma_wait3A_317] : memref<4x128xi32, #tpu.memory_space<vmem>> -> memref<1x128xi32, #tpu.memory_space<vmem>>
    %dma_wait3A_319 = tpu.memref_squeeze %dma_wait3A_318 : memref<1x128xi32, #tpu.memory_space<vmem>> -> memref<128xi32, #tpu.memory_space<vmem>>
    %dma_wait3A_320 = arith.constant 0 : i32
    %dma_wait3A_321 = arith.constant 0 : i32
    %dma_wait3A_322 = tpu.memref_slice %arg16[%dma_wait3A_320, %dma_wait3A_321] : memref<500x128xf32, #tpu.memory_space<vmem_shared>> -> memref<500x128xf32, #tpu.memory_space<vmem_shared>>
    tpu.wait_indirect_dma semaphore(%arg21 : memref<!tpu.dma_semaphore, #tpu.memory_space<semaphore_mem>>) src(%dma_wait3A_322 : memref<500x128xf32, #tpu.memory_space<vmem_shared>>) dst(%dma_wait3A_316 : memref<128x128xf32, #tpu.memory_space<vmem>>)
    %dma_start3A_323 = arith.constant 0 : i32
    %dma_start3A_324 = tpu.memref_slice %arg8[%mul3A_302, %dma_start3A_323] : memref<16384x128xf32, #tpu.memory_space<hbm>> -> memref<256x128xf32, #tpu.memory_space<hbm>>
    %dma_start3A_325 = arith.constant 0 : i32
    %dma_start3A_326 = tpu.memref_slice %arg8[%mul3A_302, %dma_start3A_325] : memref<16384x128xf32, #tpu.memory_space<hbm>> -> memref<256x128xf32, #tpu.memory_space<hbm>>
    tpu.enqueue_dma source(%arg15 : memref<256x128xf32, #tpu.memory_space<vmem>>) target(%dma_start3A_326 : memref<256x128xf32, #tpu.memory_space<hbm>>) target_semaphore(%arg24 : memref<!tpu.dma_semaphore, #tpu.memory_space<semaphore_mem>>)
    %dma_wait3A_327 = arith.constant 0 : i32
    %dma_wait3A_328 = tpu.memref_slice %arg9[%mul3A_246, %dma_wait3A_327] : memref<16384x128xf32, #tpu.memory_space<hbm>> -> memref<256x128xf32, #tpu.memory_space<hbm>>
    %dma_wait3A_329 = arith.constant 0 : i32
    %dma_wait3A_330 = tpu.memref_slice %arg9[%mul3A_246, %dma_wait3A_329] : memref<16384x128xf32, #tpu.memory_space<hbm>> -> memref<256x128xf32, #tpu.memory_space<hbm>>
    tpu.wait_dma2 semaphore(%arg22 : memref<!tpu.dma_semaphore, #tpu.memory_space<semaphore_mem>>) src(%arg13 : memref<256x128xf32, #tpu.memory_space<vmem>>) dst(%dma_wait3A_330 : memref<256x128xf32, #tpu.memory_space<hbm>>)
    %dma_wait3A_331 = arith.constant 0 : i32
    %dma_wait3A_332 = tpu.memref_slice %arg8[%mul3A_274, %dma_wait3A_331] : memref<16384x128xf32, #tpu.memory_space<hbm>> -> memref<256x128xf32, #tpu.memory_space<hbm>>
    %dma_wait3A_333 = arith.constant 0 : i32
    %dma_wait3A_334 = tpu.memref_slice %arg8[%mul3A_274, %dma_wait3A_333] : memref<16384x128xf32, #tpu.memory_space<hbm>> -> memref<256x128xf32, #tpu.memory_space<hbm>>
    tpu.wait_dma2 semaphore(%arg23 : memref<!tpu.dma_semaphore, #tpu.memory_space<semaphore_mem>>) src(%arg14 : memref<256x128xf32, #tpu.memory_space<vmem>>) dst(%dma_wait3A_334 : memref<256x128xf32, #tpu.memory_space<hbm>>)
    %dma_wait3A_335 = arith.constant 0 : i32
    %dma_wait3A_336 = tpu.memref_slice %arg8[%mul3A_302, %dma_wait3A_335] : memref<16384x128xf32, #tpu.memory_space<hbm>> -> memref<256x128xf32, #tpu.memory_space<hbm>>
    %dma_wait3A_337 = arith.constant 0 : i32
    %dma_wait3A_338 = tpu.memref_slice %arg8[%mul3A_302, %dma_wait3A_337] : memref<16384x128xf32, #tpu.memory_space<hbm>> -> memref<256x128xf32, #tpu.memory_space<hbm>>
    tpu.wait_dma2 semaphore(%arg24 : memref<!tpu.dma_semaphore, #tpu.memory_space<semaphore_mem>>) src(%arg15 : memref<256x128xf32, #tpu.memory_space<vmem>>) dst(%dma_wait3A_338 : memref<256x128xf32, #tpu.memory_space<hbm>>)
    return
  }
}

</mosaic_0001>

<sc_bundles>
// kernel: kernel.3.cloned.1.call-start
scs
__scs_entry_jumppad:
0x0: {  	(pc) =	sbr.rel $0x88, $3  }
0x1: {  	(tag) =	ssettag $0x0;
	lr =	simm.s32 $0x1  }
0x2: {  	[smem:$0x3F9C] =	sst lr;
	_ =	strace $0xD0000000  }
0x3: {  	_ = 	snop  }
0x4: {  	_ = 	snop  }
0x5: {  	_ = 	snop  }
0x6: {  	_ = 	snop  }
0x7: {  	_ = 	snop  }
__scs_overlays_trampoline_lowered:
0x8: {  	[smem:$0x3FAB] =	sst s0  }
0x9: {  	[smem:$0x3FAC] =	sst s1  }
0xa: {  	[smem:$0x3FAD] =	sst s2  }
0xb: {  	[smem:$0x3FAE] =	sst s3  }
0xc: {  	[smem:$0x3FAF] =	sst s4  }
0xd: {  	[smem:$0x3FB0] =	sst s5  }
0xe: {  	[smem:$0x3FB1] =	sst s6  }
0xf: {  	[smem:$0x3FB2] =	sst s7  }
0x10: {  	[smem:$0x3FB3] =	sst s8  }
0x11: {  	[smem:$0x3FB4] =	sst s9;
	s0 =	simm.s32 @!p0 $0x0  }
0x12: {  	s1 =	sld [smem:$0x3F9A];
	s0 =	simm.s32 @p0 $0x1  }
0x13: {  	[smem:$0x3FB5] =	sst s0;
	s0 =	simm.s32 @!p1 $0x0  }
0x14: {  	s2 =	sld [smem:$0x3F99];
	s0 =	simm.s32 @p1 $0x1  }
0x15: {  	[smem:$0x3FB6] =	sst s0;
	s0 =	simm.s32 @!p2 $0x0  }
0x16: {  	s3 =	sld [smem:$0x3FDB];
	s0 =	simm.s32 @p2 $0x1  }
0x17: {  	s4 =	simm.s32 $0x1BF5;
	[smem:$0x3FB8] =	sst s0  }
0x18: {  	s0 =	sld [smem:$0x3F9B];
	_ =	swait.ge [sflag:s4], $0x0  }
0x19: {  	s7 =	sld [smem:$0x3F9C]  }
0x1a: {  	s8 =	sadd.s32 $0xFFFFE003, lr  }
0x1b: {  	s9 =	sadd.s32 $0xFFFFFEF7, lr;
	s5 =	simm.s32 $0xFFFFFFFF;
	p2 =	slt.u32 s8, $0xFFFFF086  }
0x1c: {  	p1 =	slt.u32 s9, $0xF7A;
	s5 =	simm.s32 @!p2 $0x0  }
0x1d: {  	s5 =	simm.s32 @p1 $0x1;
	p0 =	seq.s32 s7, s2  }
0x1e: {  	s7 =	smul.u32 @!p0 $0xF7A, s2;
	p2 =	seq.s32 @!p0 s5, $0x0  }
0x1f: {  	s9 =	smul.u32 $0xF7A, s1;
	s8 =	simm.s32 @!p0 $0x1BF5;
	p2 =	por !p2, p0  }
0x20: {  	[sflag:s8] =	ssyncset.s32 @!p0 $0xFFFFF086;
	s6 =	sadd.s32 @!p0 s3, s7;
	s7 =	simm.s32 @!p0 $0x108  }
0x21: {  	s3 =	sadd.s32 s3, s9;
	s6 =	sadd.s32 @!p0 $0x88, s6;
	s7 =	simm.s32 @p2 $0x1082  }
0x22: {  	[simem:s7], [sflag:s8] =	dma.local @!p0 [hbm:s6], $0xF7A  }
0x23: {  	s9 =	sor.u32 $0xD0000000, s2;
	s6 =	simm.s32 $0x108;
	_ =	swait.ge @!p0 [sflag:s8], $0x0  }
0x24: {  	s3 =	sadd.s32 $0x88, s3;
	s6 =	simm.s32 @!p1 $0x1082;
	[sflag:s4] =	ssyncset.s32 $0xFFFFF086  }
0x25: {  	[simem:s6], [sflag:s4] =	dma.local [hbm:s3], $0xF7A  }
0x26: {  	[smem:$0x3F9C] =	sst s1;
	(tag) =	ssettag s2;
	_ =	strace s9  }
0x27: {  	s1 =	sld [smem:$0x3FAC]  }
0x28: {  	s2 =	sld [smem:$0x3FAD]  }
0x29: {  	s4 =	sld [smem:$0x3FAF]  }
0x2a: {  	p0 =	seq.s32 s5, $0x0;
	s5 =	sld [smem:$0x3FB0]  }
0x2b: {  	s6 =	sld [smem:$0x3FB1]  }
0x2c: {  	s7 =	sld [smem:$0x3FB2]  }
0x2d: {  	s3 =	simm.s32 $0x108;
	s8 =	sld [smem:$0x3FB3]  }
0x2e: {  	s3 =	simm.s32 @!p0 $0x1082;
	s9 =	sld [smem:$0x3FB4]  }
0x2f: {  	lr =	sadd.s32 s0, s3;
	s0 =	sld [smem:$0x3FAB]  }
0x30: {  	s3 =	sld [smem:$0x3FAE]  }
0x31: {  	[smem:$0x3FB7] =	sst s10  }
0x32: {  	s10 =	sld [smem:$0x3FB5];
	_ =	sdelay $0x3  }
0x33: {  	p0 =	seq.s32 s10, $0x1;
	s10 =	sld [smem:$0x3FB7];
	_ =	sdelay $0x3  }
0x34: {  	[smem:$0x3FB7] =	sst s10  }
0x35: {  	s10 =	sld [smem:$0x3FB6];
	_ =	sdelay $0x3  }
0x36: {  	p1 =	seq.s32 s10, $0x1;
	s10 =	sld [smem:$0x3FB7];
	_ =	sdelay $0x3  }
0x37: {  	[smem:$0x3FB7] =	sst s10  }
0x38: {  	s10 =	sld [smem:$0x3FB8]  }
0x39: {  	_ = 	snop;
	(pc) =	sbr.ind lr, $3  }
0x3a: {  	_ = 	snop  }
0x3b: {  	_ = 	snop  }
0x3c: {  	p2 =	seq.s32 s10, $0x1;
	s10 =	sld [smem:$0x3FB7]  }
0x3d: {  	_ =	shalt  }
0x3e: {  	_ =	shalt  }
0x3f: {  	_ =	shalt  }
0x40: {  	_ =	shalt  }
0x41: {  	_ =	shalt  }
0x42: {  	_ =	shalt  }
0x43: {  	_ =	shalt  }
0x44: {  	_ =	shalt  }
0x45: {  	_ =	shalt  }
0x46: {  	_ =	shalt  }
0x47: {  	_ =	shalt  }
0x48: {  	_ =	shalt  }
0x49: {  	_ =	shalt  }
0x4a: {  	_ =	shalt  }
0x4b: {  	_ =	shalt  }
0x4c: {  	_ =	shalt  }
0x4d: {  	_ =	shalt  }
0x4e: {  	_ =	shalt  }
0x4f: {  	_ =	shalt  }
0x50: {  	_ =	shalt  }
0x51: {  	_ =	shalt  }
0x52: {  	_ =	shalt  }
0x53: {  	_ =	shalt  }
0x54: {  	_ =	shalt  }
0x55: {  	_ =	shalt  }
0x56: {  	_ =	shalt  }
0x57: {  	_ =	shalt  }
0x58: {  	_ =	shalt  }
0x59: {  	_ =	shalt  }
0x5a: {  	_ =	shalt  }
0x5b: {  	_ =	shalt  }
0x5c: {  	_ =	shalt  }
0x5d: {  	_ =	shalt  }
0x5e: {  	_ =	shalt  }
0x5f: {  	_ =	shalt  }
0x60: {  	_ =	shalt  }
0x61: {  	_ =	shalt  }
0x62: {  	_ =	shalt  }
0x63: {  	_ =	shalt  }
0x64: {  	_ =	shalt  }
0x65: {  	_ =	shalt  }
0x66: {  	_ =	shalt  }
0x67: {  	_ =	shalt  }
0x68: {  	_ =	shalt  }
0x69: {  	_ =	shalt  }
0x6a: {  	_ =	shalt  }
0x6b: {  	_ =	shalt  }
0x6c: {  	_ =	shalt  }
0x6d: {  	_ =	shalt  }
0x6e: {  	_ =	shalt  }
0x6f: {  	_ =	shalt  }
0x70: {  	_ =	shalt  }
0x71: {  	_ =	shalt  }
0x72: {  	_ =	shalt  }
0x73: {  	_ =	shalt  }
0x74: {  	_ =	shalt  }
0x75: {  	_ =	shalt  }
0x76: {  	_ =	shalt  }
0x77: {  	_ =	shalt  }
0x78: {  	_ =	shalt  }
0x79: {  	_ =	shalt  }
0x7a: {  	_ =	shalt  }
0x7b: {  	_ =	shalt  }
0x7c: {  	_ =	shalt  }
0x7d: {  	_ =	shalt  }
0x7e: {  	_ =	shalt  }
0x7f: {  	_ =	shalt  }
0x80: {  	_ =	shalt  }
0x81: {  	_ =	shalt  }
0x82: {  	_ =	shalt  }
0x83: {  	_ =	shalt  }
0x84: {  	_ =	shalt  }
0x85: {  	_ =	shalt  }
0x86: {  	_ =	shalt  }
0x87: {  	_ =	shalt  }
.Lfunc_end0:
.L_simem_size_0:
called_computation_lowered:
.L_overlay_start_0:
0x88: {  	s2 =	sld [smem:$0x3FD9]  }
0x89: {  	s3 =	sld [smem:$0x3FFE];
	_ =	sdelay $0x1  }
0x8a: {  	s1 =	srdreg.scid  }
0x8b: {  	s0 =	sand.u32 $0x1, s1  }
0x8c: {  	s15 =	sshll.u32 s0, $0xA;
	s2 =	sadd.s32 s3, s2  }
0x8d: {  	s2 =	sadd.s32 s2, s15  }
0x8e: {  	[smem:$0x3FC3] =	sst s2  }
0x8f: {  	_ = 	snop  }
0x90: {  	s2 =	sld [smem:$0x3FC9]  }
0x91: {  	s16 =	sld [smem:$0x3FC8]  }
0x92: {  	s4 =	sld [smem:$0x3FD0]  }
0x93: {  	s5 =	sld [smem:$0x3FC7]  }
0x94: {  	s6 =	sld [smem:$0x3FC6]  }
0x95: {  	s8 =	simm.s32 $0xA;
	s9 =	simm.s32 $0x10;
	s7 =	sld [smem:$0x3FC5]  }
0x96: {  	[smem:s9], [sflag:s8] =	dma.local [hbm:s4], $0x1  }
0x97: {  	_ =	swait.eq [sflag:s8], $0x1  }
0x98: {  	s17 =	sld [smem:$0x10];
	[sflag:s8] =	ssyncset.done $0x0  }
0x99: {  	s18 =	sld [smem:$0x11];
	[sflag:s8] =	ssyncadd.s32 $0xFFFFFFFF  }
0x9a: {  	s19 =	sld [smem:$0x12];
	(tm) =	ssettm $0x1  }
0x9b: {  	s10 =	sld [smem:$0x3FFB];
	_ =	sdelay $0x3  }
0x9c: {  	_ =	strace s10  }
0x9d: {  	s10 =	sld [smem:$0x3FFC];
	_ =	sdelay $0x3  }
0x9e: {  	_ =	strace s10  }
0x9f: {  	s10 =	sld [smem:$0x3FFD];
	_ =	sdelay $0x3  }
0xa0: {  	_ =	strace s10  }
0xa1: {  	_ =	strace $0x8FFFFFFF  }
0xa2: {  	s20 =	sld [smem:$0x3FDB];
	_ =	sdelay $0x1  }
0xa3: {  	s11 =	simm.s32 $_scs_section_size  }
0xa4: {  	s12 =	simm.s32 $_size__tile_overlayer_lowered;
	s13 =	simm.s32 $_tile_overlayer_lowered  }
0xa5: {  	s23 =	simm.s32 $0x1BFF;
	s22 =	sshll.u32 s13, $0x1;
	s10 =	sadd.s32 s11, s20  }
0xa6: {  	s14 =	simm.s32 $0x0;
	s21 =	sshll.u32 s12, $0x1;
	s12 =	sadd.s32 s22, s10  }
0xa7: {  	[timem:s14], [sflag:s23] =	dma.local [hbm:s12], s21  }
0xa8: {  	_ =	swait.ge [sflag:s23], s21  }
0xa9: {  	s11 =	ssub.s32 $0x0, s21;
	[sflag:s23] =	ssyncset.done $0x0  }
0xaa: {  	[sflag:s23] =	ssyncadd.s32 s11;
	_ =	sdelay $0x1  }
0xab: {  	s24 =	simm.s32 $0x1B8B  }
0xac: {  	_ =	swait.ge [sflag:s24], $0x1  }
0xad: {  	[sflag:s24] =	ssyncset.done $0x0  }
0xae: {  	s25 =	simm.s32 $0x1B8E;
	[sflag:s24] =	ssyncadd.s32 $0xFFFFFFFF  }
0xaf: {  	s26 =	simm.s32 $execute0_lowered;
	[smem:$0x3FD2] =	sst s25  }
0xb0: {  	s11 =	sshll.u32 s26, $0x1;
	_ =	strace $0x80000046;
	[dreg:$0x1] =	wrdreg $0xFFFFFFFF  }
0xb1: {  	s28 =	simm.s32 $_size_execute0_lowered;
	s10 =	sadd.s32 s10, s11;
	[dreg:$0x0] =	wrdreg $0x0  }
0xb2: {  	s11 =	sshll.u32 s28, $0x1;
	[dreg:$0x2] =	wrdreg s10  }
0xb3: {  	[dreg:$0x3] =	wrdreg s11  }
0xb4: {  	[dreg:$0x4] =	wrdreg $0xC0  }
0xb5: {  	_ =	task [dreg:s14], $0x5FFFF  }
0xb6: {  	[dreg:$0x1] =	wrdreg $0xFFFFFFFF  }
0xb7: {  	[dreg:$0x0] =	wrdreg $0x60  }
0xb8: {  	[dreg:$0x2] =	wrdreg s2  }
0xb9: {  	[dreg:$0x3] =	wrdreg s16  }
0xba: {  	[dreg:$0x4] =	wrdreg s5  }
0xbb: {  	[dreg:$0x5] =	wrdreg s6  }
0xbc: {  	[dreg:$0x6] =	wrdreg s7  }
0xbd: {  	[dreg:$0x7] =	wrdreg s17  }
0xbe: {  	[dreg:$0x8] =	wrdreg s18  }
0xbf: {  	[dreg:$0x9] =	wrdreg s19  }
0xc0: {  	[dreg:$0xa] =	wrdreg $0x186000  }
0xc1: {  	[dreg:$0xb] =	wrdreg $0x9  }
0xc2: {  	_ =	task.clear_ibuf [dreg:s14], $0xCFFFF;
	_ =	strace $0x90000046  }
0xc3: {  	s29 =	simm.s32 $0x9;
	_ =	strace $0x80000048  }
0xc4: {  	_ =	swait.ge [sflag:s29], $0x1  }
0xc5: {  	[sflag:s29] =	ssyncadd.s32 $0xFFFFFFFF  }
0xc6: {  	_ =	strace $0x90000048  }
0xc7: {  	_ =	sfence  }
0xc8: {  	s30 =	sld [smem:$0x0];
	_ =	sdelay $0x2  }
0xc9: {  	s31 =	sshll.u32 s1, $0xD;
	s1 =	sshrl.u32 s1, $0x2  }
0xca: {  	s3 =	sand.u32 $0x4000, s31;
	s1 =	sadd.s32 s1, s30  }
0xcb: {  	s0 =	sor.u32 s3, s0;
	s1 =	sshll.u32 s1, $0x11  }
0xcc: {  	s0 =	sor.u32 s1, s0  }
0xcd: {  	s0 =	sadd.s32 $0x8F2B, s0  }
0xce: {  	[sflag:s0] =	ssyncadd.remote.s32 $0x1  }
0xcf: {  	_ =	sfence.sel $0xFFFF  }
0xd0: {  	[dreg:$0x0] =	wrdreg $0xFFFFFFFF;
	(pc) =	sbr.abs _section_cstart, $3  }
0xd1: {  	[dreg:$0x1] =	wrdreg $0xFFFFFFFF  }
0xd2: {  	_ =	task.clear_ibuf [dreg:s14], $0x2FFFF;
	_ =	strace $0x9FFFFFFF  }
0xd3: {  	(tm) =	ssettm $0x7FFFFFFF  }
tec
execute0_lowered:
.L_overlay_start_1:
0x0: {  	(tag) =	ssettag $0x1  }
0x1: {  	s0 =	rddreg [dreg:$0x0]  }
0x2: {  	s4 =	rddreg [dreg:$0x1]  }
0x3: {  	s5 =	rddreg [dreg:$0x2]  }
0x4: {  	s3 =	rddreg [dreg:$0x3]  }
0x5: {  	s1 =	rddreg [dreg:$0x4]  }
0x6: {  	s6 =	rddreg [dreg:$0x5]  }
0x7: {  	s7 =	rddreg [dreg:$0x6]  }
0x8: {  	s8 =	rddreg [dreg:$0x7]  }
0x9: {  	s2 =	rddreg [dreg:$0x8]  }
0xa: {  	s14 =	srdreg.scid;
	s30 =	rddreg [dreg:$0x9]  }
0xb: {  	s9 =	stileid.u32;
	s28 =	simm.s32 $0x480;
	s13 =	simm.s32 $0x3  }
0xc: {  	p1 =	por $0x0, $0x0;
	[dreg:$0xa] =	wrdreg s1;
	s10 =	sand.u32 $0x1, s14  }
0xd: {  	s1 =	simm.s32 $0x0;
	s11 =	sshll.u32 s9, $0x7;
	s16 =	sshll.u32 s9, $0xE  }
0xe: {  	p0 =	sne.s32 s9, $0x0;
	s9 =	simm.s32 $0x600;
	s14 =	simm.s32 $0x14600  }
0xf: {  	s12 =	sshll.u32 s10, $0x6;
	[smem:$0x7FF] =	sst s1;
	s17 =	sshll.u32 s10, $0xD  }
0x10: {  	s23 =	ssub.s32 $0x2, s10;
	s10 =	simm.s32 $0x5;
	s11 =	sor.u32 s12, s11  }
0x11: {  	_ =	strace $0x80000047;
	s25 =	sshrl.u32 s23, $0x1;
	s12 =	simm.s32 $0x80  }
0x12: {  	s0 =	sadd.s32 s0, s11;
	s15 =	sadd.s32 s4, s11;
	s18 =	sadd.s32 s5, s11  }
0x13: {  	s4 =	sor.u32 s17, s16;
	s31 =	ssub.s32 s23, s25;
	s25 =	simm.s32 $0x100  }
0x14: {  	s16 =	simm.s32 $0xC600;
	s5 =	simm.s32 $0x6;
	[dreg:$0xb] =	wrdreg s0  }
0x15: {  	s23 =	simm.s32 $0x580;
	s11 =	simm.s32 $0x4;
	[dreg:$0xc] =	wrdreg s15  }
0x16: {  	[dreg:$0xd] =	wrdreg s18;
	s19 =	sadd.s32 s6, s4;
	s20 =	sor.u32 $0x1000, s4  }
0x17: {  	s22 =	sadd.s32 s8, s4;
	s26 =	sadd.s32 s7, s4;
	s0 =	sshrl.u32 @!p0 s2, $0x3  }
0x18: {  	s15 =	simm.s32 $0x200;
	s4 =	simm.s32 $0x10600;
	s18 =	simm.s32 $0x380  }
0x19: {  	[dreg:$0xe] =	wrdreg s19;
	s24 =	sadd.s32 s8, s20;
	s8 =	smax.u32 s31, $0x1  }
0x1a: {  	s21 =	sadd.s32 s6, s20;
	[dreg:$0x10] =	wrdreg s22;
	s17 =	sadd.s32 $0xFFFFFFFF, s8  }
0x1b: {  	[dreg:$0x12] =	wrdreg s26;
	s29 =	sadd.s32 s7, s20;
	p2 =	sne.s32 s17, $0x0  }
.Ltmp0:
0x1c: {  	[dreg:$0x14] =	wrdreg s0;
	s19 =	simm.s32 $0x4600;
	(pc) =	sbr.rel @!p2 .LBB2_1-.Ltmp0, $4  }
0x1d: {  	s7 =	simm.s32 $0x8600;
	s26 =	simm.s32 $0x180;
	[dreg:$0xf] =	wrdreg s21  }
0x1e: {  	s22 =	simm.s32 $0x500;
	s6 =	simm.s32 $0x7;
	[dreg:$0x11] =	wrdreg s24  }
0x1f: {  	s20 =	simm.s32 $0x280;
	[dreg:$0x13] =	wrdreg s29;
	s21 =	simm.s32 $0x400  }
0x20: {  	s24 =	simm.s32 $0x1;
	s8 =	simm.s32 $0x8;
	s0 =	rddreg [dreg:$0x14]  }
0x21: {  	s31 =	rddreg [dreg:$0xa];
	s29 =	simm.s32 @!p0 $0x1C02;
	s30 =	simm.s32 @!p0 $0x2  }
0x22: {  	[spmem:s0], [sflag:s29] =	dma.local @!p0 [hbm:s31], $0x1F40  }
0x23: {  	_ =	swait.ge @!p0 [sflag:s30], $0x1F40  }
0x24: {  	[sflag:s30] =	ssyncset.done @!p0 $0x0  }
0x25: {  	s0 =	rddreg [dreg:$0xb];
	[sflag:s30] =	ssyncadd.s32 @!p0 $0xFFFFE0C0  }
0x26: {  	[tilespmem:s1], [sflag:$0x1] =	stream.linear.gather [hbm4b:s0+s1], $0x200, $0x38;
	[tilespmem:$0x195A0] =	vst v63  }
0x27: {  	s31 =	rddreg [dreg:$0xc]  }
0x28: {  	[tilespmem:s15], [sflag:$0x1] =	stream.linear.gather [hbm4b:s31+s1], $0x200, $0x38;
	[tilespmem:$0x195A0] =	vst v63  }
0x29: {  	s0 =	rddreg [dreg:$0xd]  }
0x2a: {  	[tilespmem:s21], [sflag:$0x1] =	stream.linear.gather [hbm4b:s0+s1], $0x200, $0x38;
	[tilespmem:$0x195A0] =	vst v63  }
0x2b: {  	_ =	swait.ge [sflag:s24], $0x200  }
0x2c: {  	[sflag:s24] =	ssyncset.done $0x0  }
0x2d: {  	[sflag:s24] =	ssyncadd.s32 $0xFFFFFE00  }
0x2e: {  	_ =	swait.ge [sflag:s24], $0x200  }
0x2f: {  	[sflag:s24] =	ssyncset.done $0x0  }
0x30: {  	[sflag:s24] =	ssyncadd.s32 $0xFFFFFE00  }
0x31: {  	_ =	swait.ge [sflag:s24], $0x200  }
0x32: {  	[sflag:s24] =	ssyncset.done $0x0  }
0x33: {  	[sflag:s24] =	ssyncadd.s32 $0xFFFFFE00  }
0x34: {  	[tilespmem:s9], [sflag:$0x3] =	stream.indirect.gather [hbm4b:s3+s12], $0x80, s1, s12, $0xb8;
	[tilespmem:$0x195A0] =	vst v63  }
0x35: {  	_ = 	snop  }
0x36: {  	[tilespmem:s19], [sflag:$0x3] =	stream.indirect.gather [hbm4b:s3+s12], $0x80, s12, s12, $0xb8;
	[tilespmem:$0x195A0] =	vst v63  }
0x37: {  	_ = 	snop  }
0x38: {  	[tilespmem:s7], [sflag:$0x4] =	stream.indirect.gather [hbm4b:s3+s12], $0x80, s25, s12, $0xb8;
	[tilespmem:$0x195A0] =	vst v63  }
0x39: {  	_ = 	snop  }
0x3a: {  	[tilespmem:s16], [sflag:$0x4] =	stream.indirect.gather [hbm4b:s3+s12], $0x80, s26, s12, $0xb8;
	[tilespmem:$0x195A0] =	vst v63  }
0x3b: {  	_ = 	snop  }
0x3c: {  	[tilespmem:s4], [sflag:$0x5] =	stream.indirect.gather [hbm4b:s3+s12], $0x80, s21, s12, $0xb8;
	[tilespmem:$0x195A0] =	vst v63  }
0x3d: {  	_ = 	snop  }
0x3e: {  	[tilespmem:s14], [sflag:$0x5] =	stream.indirect.gather [hbm4b:s3+s12], $0x80, s28, s12, $0xb8;
	[tilespmem:$0x195A0] =	vst v63  }
0x3f: {  	_ =	swait.ge [sflag:s13], $0x4000  }
0x40: {  	[sflag:s13] =	ssyncset.done $0x0  }
0x41: {  	[sflag:s13] =	ssyncadd.s32 $0xFFFFC000  }
0x42: {  	_ =	swait.ge [sflag:s13], $0x4000  }
0x43: {  	[sflag:s13] =	ssyncset.done $0x0  }
0x44: {  	s0 =	rddreg [dreg:$0xe];
	[sflag:s13] =	ssyncadd.s32 $0xFFFFC000  }
0x45: {  	[hbm4b:s0+s1] =	stream.linear.scatter [tilespmem:s9], [sflag:$0x6], $0x8000, $0x38;
	[tilespmem:$0x195A0] =	vst v63  }
0x46: {  	_ =	swait.ge [sflag:s5], $0x8000  }
0x47: {  	[sflag:s5] =	ssyncset.done $0x0  }
0x48: {  	[sflag:s5] =	ssyncadd.s32 $0xFFFF8000  }
0x49: {  	[tilespmem:s9], [sflag:$0x3] =	stream.indirect.gather [hbm4b:s3+s12], $0x80, s22, s12, $0xb8;
	[tilespmem:$0x195A0] =	vst v63  }
0x4a: {  	_ = 	snop  }
0x4b: {  	[tilespmem:s19], [sflag:$0x3] =	stream.indirect.gather [hbm4b:s3+s12], $0x80, s23, s12, $0xb8;
	[tilespmem:$0x195A0] =	vst v63  }
0x4c: {  	_ =	swait.ge [sflag:s11], $0x4000  }
0x4d: {  	[sflag:s11] =	ssyncset.done $0x0  }
0x4e: {  	[sflag:s11] =	ssyncadd.s32 $0xFFFFC000  }
0x4f: {  	_ =	swait.ge [sflag:s11], $0x4000  }
0x50: {  	[sflag:s11] =	ssyncset.done $0x0  }
0x51: {  	s0 =	rddreg [dreg:$0xf];
	[sflag:s11] =	ssyncadd.s32 $0xFFFFC000  }
0x52: {  	[hbm4b:s0+s1] =	stream.linear.scatter [tilespmem:s7], [sflag:$0x7], $0x8000, $0x38;
	[tilespmem:$0x195A0] =	vst v63  }
0x53: {  	_ =	swait.ge [sflag:s6], $0x8000  }
0x54: {  	[sflag:s6] =	ssyncset.done $0x0  }
0x55: {  	[sflag:s6] =	ssyncadd.s32 $0xFFFF8000  }
0x56: {  	[bflag:$0x0] =	sbarrier.arrive $0xFFFF  }
0x57: {  	[tilespmem:s7], [sflag:$0x4] =	stream.indirect.gather [spmem:s2], $0x80, s15, s12, $0xb8;
	[tilespmem:$0x195A0] =	vst v63  }
0x58: {  	_ = 	snop  }
0x59: {  	[tilespmem:s16], [sflag:$0x4] =	stream.indirect.gather [spmem:s2], $0x80, s20, s12, $0xb8;
	[tilespmem:$0x195A0] =	vst v63  }
0x5a: {  	_ =	swait.ge [sflag:s10], $0x4000  }
0x5b: {  	[sflag:s10] =	ssyncset.done $0x0  }
0x5c: {  	[sflag:s10] =	ssyncadd.s32 $0xFFFFC000  }
0x5d: {  	_ =	swait.ge [sflag:s10], $0x4000  }
0x5e: {  	[sflag:s10] =	ssyncset.done $0x0  }
0x5f: {  	s0 =	rddreg [dreg:$0x10];
	[sflag:s10] =	ssyncadd.s32 $0xFFFFC000  }
0x60: {  	[hbm4b:s0+s1] =	stream.linear.scatter [tilespmem:s4], [sflag:$0x8], $0x8000, $0x38;
	[tilespmem:$0x195A0] =	vst v63  }
0x61: {  	_ =	swait.ge [sflag:s8], $0x8000  }
0x62: {  	[sflag:s8] =	ssyncset.done $0x0  }
0x63: {  	s0 =	simm.s32 $0x300;
	[sflag:s8] =	ssyncadd.s32 $0xFFFF8000  }
0x64: {  	[tilespmem:s4], [sflag:$0x5] =	stream.indirect.gather [spmem:s2], $0x80, s0, s12, $0xb8;
	[tilespmem:$0x195A0] =	vst v63  }
0x65: {  	_ = 	snop  }
0x66: {  	[tilespmem:s14], [sflag:$0x5] =	stream.indirect.gather [spmem:s2], $0x80, s18, s12, $0xb8;
	[tilespmem:$0x195A0] =	vst v63  }
0x67: {  	_ =	swait.ge [sflag:s13], $0x4000  }
0x68: {  	[sflag:s13] =	ssyncset.done $0x0  }
0x69: {  	[sflag:s13] =	ssyncadd.s32 $0xFFFFC000  }
0x6a: {  	_ =	swait.ge [sflag:s13], $0x4000  }
0x6b: {  	[sflag:s13] =	ssyncset.done $0x0  }
0x6c: {  	s0 =	rddreg [dreg:$0x11];
	[sflag:s13] =	ssyncadd.s32 $0xFFFFC000  }
0x6d: {  	[hbm4b:s0+s1] =	stream.linear.scatter [tilespmem:s9], [sflag:$0x6], $0x8000, $0x38;
	[tilespmem:$0x195A0] =	vst v63  }
0x6e: {  	_ =	swait.ge [sflag:s11], $0x4000  }
0x6f: {  	[sflag:s11] =	ssyncset.done $0x0  }
0x70: {  	[sflag:s11] =	ssyncadd.s32 $0xFFFFC000  }
0x71: {  	_ =	swait.ge [sflag:s11], $0x4000  }
0x72: {  	[sflag:s11] =	ssyncset.done $0x0  }
0x73: {  	s0 =	rddreg [dreg:$0x12];
	[sflag:s11] =	ssyncadd.s32 $0xFFFFC000  }
0x74: {  	[hbm4b:s0+s1] =	stream.linear.scatter [tilespmem:s7], [sflag:$0x7], $0x8000, $0x38;
	[tilespmem:$0x195A0] =	vst v63  }
0x75: {  	_ =	swait.ge [sflag:s10], $0x4000  }
0x76: {  	[sflag:s10] =	ssyncset.done $0x0  }
0x77: {  	[sflag:s10] =	ssyncadd.s32 $0xFFFFC000  }
0x78: {  	_ =	swait.ge [sflag:s10], $0x4000  }
0x79: {  	[sflag:s10] =	ssyncset.done $0x0  }
0x7a: {  	s0 =	rddreg [dreg:$0x13];
	[sflag:s10] =	ssyncadd.s32 $0xFFFFC000  }
0x7b: {  	[hbm4b:s0+s1] =	stream.linear.scatter [tilespmem:s4], [sflag:$0x8], $0x8000, $0x38;
	[tilespmem:$0x195A0] =	vst v63  }
0x7c: {  	_ =	swait.ge [sflag:s5], $0x8000  }
0x7d: {  	s31 =	sadd.s32 $0xFFFFFFFF, s17;
	[sflag:s5] =	ssyncset.done $0x0  }
0x7e: {  	p2 =	sne.s32 s31, $0x0;
	[sflag:s5] =	ssyncadd.s32 $0xFFFF8000  }
.Ltmp1:
0x7f: {  	_ =	swait.ge [sflag:s6], $0x8000;
	(pc) =	sbr.rel @!p2 .LBB2_3-.Ltmp1, $4  }
0x80: {  	[sflag:s6] =	ssyncset.done $0x0  }
0x81: {  	[sflag:s6] =	ssyncadd.s32 $0xFFFF8000  }
0x82: {  	_ =	swait.ge [sflag:s8], $0x8000  }
0x83: {  	p1 =	por $0x1, $0x1;
	s0 =	rddreg [dreg:$0x14];
	[sflag:s8] =	ssyncset.done $0x0  }
.LBB2_4:
0x84: {  	s17 =	rddreg [dreg:$0xa];
	[sflag:s8] =	ssyncadd.s32 $0xFFFF8000  }
0x85: {  	[spmem:s0], [sflag:s29] =	dma.local @!p0 [hbm:s17], $0x1F40  }
0x86: {  	_ =	swait.ge @!p0 [sflag:s30], $0x1F40  }
0x87: {  	[sflag:s30] =	ssyncset.done @!p0 $0x0  }
0x88: {  	s0 =	rddreg [dreg:$0xb];
	[sflag:s30] =	ssyncadd.s32 @!p0 $0xFFFFE0C0  }
0x89: {  	[tilespmem:s1], [sflag:$0x1] =	stream.linear.gather [hbm4b:s0+s1], $0x200, $0x38;
	[tilespmem:$0x195A0] =	vst v63  }
0x8a: {  	s17 =	rddreg [dreg:$0xc]  }
0x8b: {  	[tilespmem:s15], [sflag:$0x1] =	stream.linear.gather [hbm4b:s17+s1], $0x200, $0x38;
	[tilespmem:$0x195A0] =	vst v63  }
0x8c: {  	s0 =	rddreg [dreg:$0xd]  }
0x8d: {  	[tilespmem:s21], [sflag:$0x1] =	stream.linear.gather [hbm4b:s0+s1], $0x200, $0x38;
	[tilespmem:$0x195A0] =	vst v63  }
0x8e: {  	_ =	swait.ge [sflag:s24], $0x200  }
0x8f: {  	[sflag:s24] =	ssyncset.done $0x0  }
0x90: {  	[sflag:s24] =	ssyncadd.s32 $0xFFFFFE00  }
0x91: {  	_ =	swait.ge [sflag:s24], $0x200  }
0x92: {  	[sflag:s24] =	ssyncset.done $0x0  }
0x93: {  	[sflag:s24] =	ssyncadd.s32 $0xFFFFFE00  }
0x94: {  	_ =	swait.ge [sflag:s24], $0x200  }
0x95: {  	[sflag:s24] =	ssyncset.done $0x0  }
0x96: {  	[sflag:s24] =	ssyncadd.s32 $0xFFFFFE00  }
0x97: {  	[tilespmem:s9], [sflag:$0x3] =	stream.indirect.gather [hbm4b:s3+s12], $0x80, s1, s12, $0xb8;
	[tilespmem:$0x195A0] =	vst v63  }
0x98: {  	_ = 	snop  }
0x99: {  	[tilespmem:s19], [sflag:$0x3] =	stream.indirect.gather [hbm4b:s3+s12], $0x80, s12, s12, $0xb8;
	[tilespmem:$0x195A0] =	vst v63  }
0x9a: {  	_ = 	snop  }
0x9b: {  	[tilespmem:s7], [sflag:$0x4] =	stream.indirect.gather [hbm4b:s3+s12], $0x80, s25, s12, $0xb8;
	[tilespmem:$0x195A0] =	vst v63  }
0x9c: {  	_ = 	snop  }
0x9d: {  	[tilespmem:s16], [sflag:$0x4] =	stream.indirect.gather [hbm4b:s3+s12], $0x80, s26, s12, $0xb8;
	[tilespmem:$0x195A0] =	vst v63  }
0x9e: {  	_ = 	snop  }
0x9f: {  	[tilespmem:s4], [sflag:$0x5] =	stream.indirect.gather [hbm4b:s3+s12], $0x80, s21, s12, $0xb8;
	[tilespmem:$0x195A0] =	vst v63  }
0xa0: {  	_ = 	snop  }
0xa1: {  	[tilespmem:s14], [sflag:$0x5] =	stream.indirect.gather [hbm4b:s3+s12], $0x80, s28, s12, $0xb8;
	[tilespmem:$0x195A0] =	vst v63  }
0xa2: {  	_ =	swait.ge [sflag:s13], $0x4000  }
0xa3: {  	[sflag:s13] =	ssyncset.done $0x0  }
0xa4: {  	[sflag:s13] =	ssyncadd.s32 $0xFFFFC000  }
0xa5: {  	_ =	swait.ge [sflag:s13], $0x4000  }
0xa6: {  	[sflag:s13] =	ssyncset.done $0x0  }
0xa7: {  	s0 =	rddreg [dreg:$0xe];
	[sflag:s13] =	ssyncadd.s32 $0xFFFFC000  }
0xa8: {  	[hbm4b:s0+s1] =	stream.linear.scatter [tilespmem:s9], [sflag:$0x6], $0x8000, $0x38;
	[tilespmem:$0x195A0] =	vst v63  }
0xa9: {  	_ =	swait.ge [sflag:s5], $0x8000  }
0xaa: {  	[sflag:s5] =	ssyncset.done $0x0  }
0xab: {  	[sflag:s5] =	ssyncadd.s32 $0xFFFF8000  }
0xac: {  	[tilespmem:s9], [sflag:$0x3] =	stream.indirect.gather [hbm4b:s3+s12], $0x80, s22, s12, $0xb8;
	[tilespmem:$0x195A0] =	vst v63  }
0xad: {  	_ = 	snop  }
0xae: {  	[tilespmem:s19], [sflag:$0x3] =	stream.indirect.gather [hbm4b:s3+s12], $0x80, s23, s12, $0xb8;
	[tilespmem:$0x195A0] =	vst v63  }
0xaf: {  	_ =	swait.ge [sflag:s11], $0x4000  }
0xb0: {  	[sflag:s11] =	ssyncset.done $0x0  }
0xb1: {  	[sflag:s11] =	ssyncadd.s32 $0xFFFFC000  }
0xb2: {  	_ =	swait.ge [sflag:s11], $0x4000  }
0xb3: {  	[sflag:s11] =	ssyncset.done $0x0  }
0xb4: {  	s0 =	rddreg [dreg:$0xf];
	[sflag:s11] =	ssyncadd.s32 $0xFFFFC000  }
0xb5: {  	[hbm4b:s0+s1] =	stream.linear.scatter [tilespmem:s7], [sflag:$0x7], $0x8000, $0x38;
	[tilespmem:$0x195A0] =	vst v63  }
0xb6: {  	_ =	swait.ge [sflag:s6], $0x8000  }
0xb7: {  	[sflag:s6] =	ssyncset.done $0x0  }
0xb8: {  	[sflag:s6] =	ssyncadd.s32 $0xFFFF8000  }
0xb9: {  	[bflag:$0x0] =	sbarrier.arrive $0xFFFF  }
0xba: {  	[tilespmem:s7], [sflag:$0x4] =	stream.indirect.gather [spmem:s2], $0x80, s15, s12, $0xb8;
	[tilespmem:$0x195A0] =	vst v63  }
0xbb: {  	_ = 	snop  }
0xbc: {  	[tilespmem:s16], [sflag:$0x4] =	stream.indirect.gather [spmem:s2], $0x80, s20, s12, $0xb8;
	[tilespmem:$0x195A0] =	vst v63  }
0xbd: {  	_ =	swait.ge [sflag:s10], $0x4000  }
0xbe: {  	[sflag:s10] =	ssyncset.done $0x0  }
0xbf: {  	[sflag:s10] =	ssyncadd.s32 $0xFFFFC000  }
0xc0: {  	_ =	swait.ge [sflag:s10], $0x4000  }
0xc1: {  	[sflag:s10] =	ssyncset.done $0x0  }
0xc2: {  	s0 =	rddreg [dreg:$0x10];
	[sflag:s10] =	ssyncadd.s32 $0xFFFFC000  }
0xc3: {  	[hbm4b:s0+s1] =	stream.linear.scatter [tilespmem:s4], [sflag:$0x8], $0x8000, $0x38;
	[tilespmem:$0x195A0] =	vst v63  }
0xc4: {  	_ =	swait.ge [sflag:s8], $0x8000  }
0xc5: {  	[sflag:s8] =	ssyncset.done $0x0  }
0xc6: {  	s17 =	simm.s32 $0x300;
	[sflag:s8] =	ssyncadd.s32 $0xFFFF8000  }
0xc7: {  	[tilespmem:s4], [sflag:$0x5] =	stream.indirect.gather [spmem:s2], $0x80, s17, s12, $0xb8;
	[tilespmem:$0x195A0] =	vst v63  }
0xc8: {  	_ = 	snop  }
0xc9: {  	[tilespmem:s14], [sflag:$0x5] =	stream.indirect.gather [spmem:s2], $0x80, s18, s12, $0xb8;
	[tilespmem:$0x195A0] =	vst v63  }
0xca: {  	_ =	swait.ge [sflag:s13], $0x4000  }
0xcb: {  	[sflag:s13] =	ssyncset.done $0x0  }
0xcc: {  	[sflag:s13] =	ssyncadd.s32 $0xFFFFC000  }
0xcd: {  	_ =	swait.ge [sflag:s13], $0x4000  }
0xce: {  	[sflag:s13] =	ssyncset.done $0x0  }
0xcf: {  	s17 =	rddreg [dreg:$0x11];
	[sflag:s13] =	ssyncadd.s32 $0xFFFFC000  }
0xd0: {  	[hbm4b:s17+s1] =	stream.linear.scatter [tilespmem:s9], [sflag:$0x6], $0x8000, $0x38;
	[tilespmem:$0x195A0] =	vst v63  }
0xd1: {  	_ =	swait.ge [sflag:s11], $0x4000  }
0xd2: {  	[sflag:s11] =	ssyncset.done $0x0  }
0xd3: {  	[sflag:s11] =	ssyncadd.s32 $0xFFFFC000  }
0xd4: {  	_ =	swait.ge [sflag:s11], $0x4000  }
0xd5: {  	[sflag:s11] =	ssyncset.done $0x0  }
0xd6: {  	s17 =	rddreg [dreg:$0x12];
	[sflag:s11] =	ssyncadd.s32 $0xFFFFC000  }
0xd7: {  	[hbm4b:s17+s1] =	stream.linear.scatter [tilespmem:s7], [sflag:$0x7], $0x8000, $0x38;
	[tilespmem:$0x195A0] =	vst v63  }
0xd8: {  	_ =	swait.ge [sflag:s10], $0x4000  }
0xd9: {  	[sflag:s10] =	ssyncset.done $0x0  }
0xda: {  	[sflag:s10] =	ssyncadd.s32 $0xFFFFC000  }
0xdb: {  	_ =	swait.ge [sflag:s10], $0x4000  }
0xdc: {  	[sflag:s10] =	ssyncset.done $0x0  }
0xdd: {  	s17 =	rddreg [dreg:$0x13];
	[sflag:s10] =	ssyncadd.s32 $0xFFFFC000  }
0xde: {  	[hbm4b:s17+s1] =	stream.linear.scatter [tilespmem:s4], [sflag:$0x8], $0x8000, $0x38;
	[tilespmem:$0x195A0] =	vst v63  }
0xdf: {  	_ =	swait.ge [sflag:s5], $0x8000  }
0xe0: {  	s31 =	sadd.s32 $0xFFFFFFFF, s31;
	[sflag:s5] =	ssyncset.done $0x0  }
0xe1: {  	p2 =	sne.s32 s31, $0x0;
	[sflag:s5] =	ssyncadd.s32 $0xFFFF8000  }
.Ltmp2:
0xe2: {  	_ =	swait.ge [sflag:s6], $0x8000;
	(pc) =	sbr.rel @p2 .LBB2_4-.Ltmp2, $4  }
0xe3: {  	[sflag:s6] =	ssyncset.done $0x0  }
0xe4: {  	[sflag:s6] =	ssyncadd.s32 $0xFFFF8000  }
0xe5: {  	_ =	swait.ge [sflag:s8], $0x8000  }
0xe6: {  	s0 =	rddreg [dreg:$0x14];
	[sflag:s8] =	ssyncset.done $0x0  }
0xe7: {  	s31 =	simm.s32 $0x300;
	s30 =	rddreg [dreg:$0x9]  }
.LBB2_6:
0xe8: {  	s17 =	rddreg [dreg:$0xa];
	[sflag:s8] =	ssyncadd.s32 @p1 $0xFFFF8000;
	s29 =	simm.s32 @!p0 $0x1C02  }
0xe9: {  	[spmem:s0], [sflag:s29] =	dma.local @!p0 [hbm:s17], $0x1F40  }
0xea: {  	s0 =	simm.s32 @!p0 $0x2  }
0xeb: {  	_ =	swait.ge @!p0 [sflag:s0], $0x1F40  }
0xec: {  	[sflag:s0] =	ssyncset.done @!p0 $0x0  }
0xed: {  	s29 =	rddreg [dreg:$0xb];
	[sflag:s0] =	ssyncadd.s32 @!p0 $0xFFFFE0C0  }
0xee: {  	[tilespmem:s1], [sflag:$0x1] =	stream.linear.gather [hbm4b:s29+s1], $0x200, $0x38;
	[tilespmem:$0x195A0] =	vst v63  }
0xef: {  	s0 =	rddreg [dreg:$0xc]  }
0xf0: {  	[tilespmem:s15], [sflag:$0x1] =	stream.linear.gather [hbm4b:s0+s1], $0x200, $0x38;
	[tilespmem:$0x195A0] =	vst v63  }
0xf1: {  	s29 =	rddreg [dreg:$0xd]  }
0xf2: {  	[tilespmem:s21], [sflag:$0x1] =	stream.linear.gather [hbm4b:s29+s1], $0x200, $0x38;
	[tilespmem:$0x195A0] =	vst v63  }
0xf3: {  	_ =	swait.ge [sflag:s24], $0x200  }
0xf4: {  	[sflag:s24] =	ssyncset.done $0x0  }
0xf5: {  	[sflag:s24] =	ssyncadd.s32 $0xFFFFFE00  }
0xf6: {  	_ =	swait.ge [sflag:s24], $0x200  }
0xf7: {  	[sflag:s24] =	ssyncset.done $0x0  }
0xf8: {  	[sflag:s24] =	ssyncadd.s32 $0xFFFFFE00  }
0xf9: {  	_ =	swait.ge [sflag:s24], $0x200  }
0xfa: {  	[sflag:s24] =	ssyncset.done $0x0  }
0xfb: {  	[sflag:s24] =	ssyncadd.s32 $0xFFFFFE00  }
0xfc: {  	[tilespmem:s9], [sflag:$0x3] =	stream.indirect.gather [hbm4b:s3+s12], $0x80, s1, s12, $0xb8;
	[tilespmem:$0x195A0] =	vst v63  }
0xfd: {  	_ = 	snop  }
0xfe: {  	[tilespmem:s19], [sflag:$0x3] =	stream.indirect.gather [hbm4b:s3+s12], $0x80, s12, s12, $0xb8;
	[tilespmem:$0x195A0] =	vst v63  }
0xff: {  	_ = 	snop  }
0x100: {  	[tilespmem:s7], [sflag:$0x4] =	stream.indirect.gather [hbm4b:s3+s12], $0x80, s25, s12, $0xb8;
	[tilespmem:$0x195A0] =	vst v63  }
0x101: {  	_ = 	snop  }
0x102: {  	[tilespmem:s16], [sflag:$0x4] =	stream.indirect.gather [hbm4b:s3+s12], $0x80, s26, s12, $0xb8;
	[tilespmem:$0x195A0] =	vst v63  }
0x103: {  	_ = 	snop  }
0x104: {  	[tilespmem:s4], [sflag:$0x5] =	stream.indirect.gather [hbm4b:s3+s12], $0x80, s21, s12, $0xb8;
	[tilespmem:$0x195A0] =	vst v63  }
0x105: {  	_ = 	snop  }
0x106: {  	[tilespmem:s14], [sflag:$0x5] =	stream.indirect.gather [hbm4b:s3+s12], $0x80, s28, s12, $0xb8;
	[tilespmem:$0x195A0] =	vst v63  }
0x107: {  	_ =	swait.ge [sflag:s13], $0x4000  }
0x108: {  	[sflag:s13] =	ssyncset.done $0x0  }
0x109: {  	[sflag:s13] =	ssyncadd.s32 $0xFFFFC000  }
0x10a: {  	_ =	swait.ge [sflag:s13], $0x4000  }
0x10b: {  	[sflag:s13] =	ssyncset.done $0x0  }
0x10c: {  	s24 =	rddreg [dreg:$0xe];
	[sflag:s13] =	ssyncadd.s32 $0xFFFFC000  }
0x10d: {  	[hbm4b:s24+s1] =	stream.linear.scatter [tilespmem:s9], [sflag:$0x6], $0x8000, $0x38;
	[tilespmem:$0x195A0] =	vst v63  }
0x10e: {  	_ =	swait.ge [sflag:s5], $0x8000  }
0x10f: {  	[sflag:s5] =	ssyncset.done $0x0  }
0x110: {  	[sflag:s5] =	ssyncadd.s32 $0xFFFF8000  }
0x111: {  	[tilespmem:s9], [sflag:$0x3] =	stream.indirect.gather [hbm4b:s3+s12], $0x80, s22, s12, $0xb8;
	[tilespmem:$0x195A0] =	vst v63  }
0x112: {  	_ = 	snop  }
0x113: {  	[tilespmem:s19], [sflag:$0x3] =	stream.indirect.gather [hbm4b:s3+s12], $0x80, s23, s12, $0xb8;
	[tilespmem:$0x195A0] =	vst v63  }
0x114: {  	_ =	swait.ge [sflag:s11], $0x4000  }
0x115: {  	[sflag:s11] =	ssyncset.done $0x0  }
0x116: {  	[sflag:s11] =	ssyncadd.s32 $0xFFFFC000  }
0x117: {  	_ =	swait.ge [sflag:s11], $0x4000  }
0x118: {  	[sflag:s11] =	ssyncset.done $0x0  }
0x119: {  	s25 =	rddreg [dreg:$0xf];
	[sflag:s11] =	ssyncadd.s32 $0xFFFFC000  }
0x11a: {  	[hbm4b:s25+s1] =	stream.linear.scatter [tilespmem:s7], [sflag:$0x7], $0x8000, $0x38;
	[tilespmem:$0x195A0] =	vst v63  }
0x11b: {  	_ =	swait.ge [sflag:s6], $0x8000  }
0x11c: {  	[sflag:s6] =	ssyncset.done $0x0  }
0x11d: {  	[sflag:s6] =	ssyncadd.s32 $0xFFFF8000  }
0x11e: {  	[bflag:$0x0] =	sbarrier.arrive $0xFFFF  }
0x11f: {  	[tilespmem:s7], [sflag:$0x4] =	stream.indirect.gather [spmem:s2], $0x80, s15, s12, $0xb8;
	[tilespmem:$0x195A0] =	vst v63  }
0x120: {  	_ = 	snop  }
0x121: {  	[tilespmem:s16], [sflag:$0x4] =	stream.indirect.gather [spmem:s2], $0x80, s20, s12, $0xb8;
	[tilespmem:$0x195A0] =	vst v63  }
0x122: {  	_ =	swait.ge [sflag:s10], $0x4000  }
0x123: {  	[sflag:s10] =	ssyncset.done $0x0  }
0x124: {  	[sflag:s10] =	ssyncadd.s32 $0xFFFFC000  }
0x125: {  	_ =	swait.ge [sflag:s10], $0x4000  }
0x126: {  	[sflag:s10] =	ssyncset.done $0x0  }
0x127: {  	s26 =	rddreg [dreg:$0x10];
	[sflag:s10] =	ssyncadd.s32 $0xFFFFC000  }
0x128: {  	[hbm4b:s26+s1] =	stream.linear.scatter [tilespmem:s4], [sflag:$0x8], $0x8000, $0x38;
	[tilespmem:$0x195A0] =	vst v63  }
0x129: {  	_ =	swait.ge [sflag:s8], $0x8000  }
0x12a: {  	[sflag:s8] =	ssyncset.done $0x0  }
0x12b: {  	[sflag:s8] =	ssyncadd.s32 $0xFFFF8000  }
0x12c: {  	[tilespmem:s4], [sflag:$0x5] =	stream.indirect.gather [spmem:s2], $0x80, s31, s12, $0xb8;
	[tilespmem:$0x195A0] =	vst v63  }
0x12d: {  	_ = 	snop  }
0x12e: {  	[tilespmem:s14], [sflag:$0x5] =	stream.indirect.gather [spmem:s2], $0x80, s18, s12, $0xb8;
	[tilespmem:$0x195A0] =	vst v63  }
0x12f: {  	_ =	swait.ge [sflag:s13], $0x4000  }
0x130: {  	[sflag:s13] =	ssyncset.done $0x0  }
0x131: {  	[sflag:s13] =	ssyncadd.s32 $0xFFFFC000  }
0x132: {  	_ =	swait.ge [sflag:s13], $0x4000  }
0x133: {  	[sflag:s13] =	ssyncset.done $0x0  }
0x134: {  	s28 =	rddreg [dreg:$0x11];
	[sflag:s13] =	ssyncadd.s32 $0xFFFFC000  }
0x135: {  	[hbm4b:s28+s1] =	stream.linear.scatter [tilespmem:s9], [sflag:$0x6], $0x8000, $0x38;
	[tilespmem:$0x195A0] =	vst v63  }
0x136: {  	_ =	swait.ge [sflag:s11], $0x4000  }
0x137: {  	[sflag:s11] =	ssyncset.done $0x0  }
0x138: {  	[sflag:s11] =	ssyncadd.s32 $0xFFFFC000  }
0x139: {  	_ =	swait.ge [sflag:s11], $0x4000  }
0x13a: {  	[sflag:s11] =	ssyncset.done $0x0  }
0x13b: {  	s29 =	rddreg [dreg:$0x12];
	[sflag:s11] =	ssyncadd.s32 $0xFFFFC000  }
0x13c: {  	[hbm4b:s29+s1] =	stream.linear.scatter [tilespmem:s7], [sflag:$0x7], $0x8000, $0x38;
	[tilespmem:$0x195A0] =	vst v63  }
0x13d: {  	_ =	swait.ge [sflag:s10], $0x4000  }
0x13e: {  	[sflag:s10] =	ssyncset.done $0x0  }
0x13f: {  	[sflag:s10] =	ssyncadd.s32 $0xFFFFC000  }
0x140: {  	_ =	swait.ge [sflag:s10], $0x4000  }
0x141: {  	[sflag:s10] =	ssyncset.done $0x0  }
0x142: {  	s31 =	rddreg [dreg:$0x13];
	[sflag:s10] =	ssyncadd.s32 $0xFFFFC000  }
0x143: {  	[hbm4b:s31+s1] =	stream.linear.scatter [tilespmem:s4], [sflag:$0x8], $0x8000, $0x38;
	[tilespmem:$0x195A0] =	vst v63  }
0x144: {  	_ =	swait.ge [sflag:s5], $0x8000  }
0x145: {  	[sflag:s5] =	ssyncset.done $0x0  }
0x146: {  	[sflag:s5] =	ssyncadd.s32 $0xFFFF8000  }
0x147: {  	_ =	swait.ge [sflag:s6], $0x8000  }
0x148: {  	[sflag:s6] =	ssyncset.done $0x0  }
0x149: {  	[sflag:s6] =	ssyncadd.s32 $0xFFFF8000  }
0x14a: {  	_ =	swait.ge [sflag:s8], $0x8000  }
0x14b: {  	[sflag:s8] =	ssyncset.done $0x0  }
0x14c: {  	[sflag:s8] =	ssyncadd.s32 $0xFFFF8000  }
0x14d: {  	_ =	sfence.sel $0x180000  }
0x14e: {  	[bflag:$0x0] =	sbarrier.arrive $0xFFFF  }
0x14f: {  	_ =	strace $0x90000047  }
0x150: {  	s0 =	sadd.s32 @!p0 $0x100000, s30;
	[bflag:$0x2] =	sbarrier.arrive $0xFFFF  }
0x151: {  	[sflag:s0] =	ssyncadd.tile.s32 @!p0 $0x1;
	_ =	shalt  }
.LBB2_1:
.Ltmp3:
0x152: {  	(pc) =	sbr.rel .LBB2_6-.Ltmp3, $2  }
0x153: {  	_ =	sdelay $0x2  }
0x154: {  	s31 =	simm.s32 $0x300  }
.LBB2_3:
.Ltmp4:
0x155: {  	(pc) =	sbr.rel .LBB2_6-.Ltmp4, $2  }
0x156: {  	_ =	sdelay $0x2  }
0x157: {  	s31 =	simm.s32 $0x300;
	s30 =	rddreg [dreg:$0x9]  }
.Lfunc_end2:
_tile_overlayer_lowered:
.L_overlay_start_2:
0x158: {  	(tag) =	ssettag $0x2  }
0x159: {  	s0 =	rddreg [dreg:$0x0];
	s2 =	stileid.u32  }
0x15a: {  	s1 =	rddreg [dreg:$0x1];
	p0 =	sne.s32 s2, $0x0  }
0x15b: {  	s3 =	rddreg [dreg:$0x2];
	[bflag:$0x3] =	sbarrier.arrive $0xFFFF;
	s2 =	simm.s32 @!p0 $0x1C09  }
0x15c: {  	[timem:s3], [sflag:s2] =	dma.local @!p0 [hbm:s0], s1  }
0x15d: {  	s0 =	simm.s32 @!p0 $0x9  }
0x15e: {  	_ =	swait.ge @!p0 [sflag:s0], s1  }
0x15f: {  	s1 =	ssub.s32 @!p0 $0x0, s1;
	[sflag:s0] =	ssyncset.done @!p0 $0x0  }
0x160: {  	[sflag:s0] =	ssyncadd.s32 @!p0 s1  }
0x161: {  	[bflag:$0x3] =	sbarrier.arrive $0xFFFF  }
0x162: {  	_ =	shalt  }

</sc_bundles>
